<compile_context>
chip_gen: v7x
topology: tpu7x:2x2x1
jax: 0.10.2.dev20260603
libtpu: 0.0.44.dev20260713+nightly
codegen_flags: <defaults>
</compile_context>

<pallas_src>
import functools

import jax
import jax.numpy as jnp
from jax import lax
from jax.experimental import pallas as pl
from jax.experimental.pallas import tpu as pltpu
from jax.experimental.pallas import tpu_sc as plsc

N = 10000
D = 128
E = 320000

NC = 2
NS = 16
NW = NC * NS

NPAD = 10240
RPT = NPAD // NS
C = 80
EPW = E // NW
NCH = EPW // C
NST = 5
NSR = NCH // NST


BN = 1000
GRID = N // BN

_mesh = plsc.VectorSubcoreMesh(core_axis_name="c", subcore_axis_name="s")



def _sc_degree_body(d0, d1, d2, zn, out, idx_v, ones_v, a0, a1, a2, sem):
    cid = lax.axis_index("c")
    sid = lax.axis_index("s")
    wid = sid * NC + cid
    accs = (a0, a1, a2)
    for j in range(C // 16):
        ones_v[pl.ds(16 * j, 16)] = jnp.ones((16,), jnp.float32)
    for acc in accs:
        pltpu.sync_copy(zn.at[pl.ds(sid * RPT, RPT)],
                        acc.at[pl.ds(sid * RPT, RPT)])
    plsc.subcore_barrier()
    for r, dref in enumerate((d0, d1, d2)):
        acc = accs[r]
        pltpu.sync_copy(dref.at[wid], idx_v)

        @pl.loop(0, NST)
        def _(st):
            @pl.loop(0, NSR)
            def _(j):
                pltpu.async_copy(ones_v, acc.at[idx_v.at[st, j]], sem,
                                 add=True)

        @pl.loop(0, NST * NSR)
        def _(j):
            pltpu.make_async_copy(ones_v, acc.at[idx_v.at[0, 0]], sem).wait()

    plsc.subcore_barrier()
    for r in range(3):
        base = (r * NC + cid) * NPAD + sid * RPT
        pltpu.sync_copy(accs[r].at[pl.ds(sid * RPT, RPT)],
                        out.at[pl.ds(base, RPT)])


@functools.partial(jax.jit, static_argnums=())
def _sc_degree(d0, d1, d2, zn):
    return pl.kernel(
        _sc_degree_body,
        out_type=jax.ShapeDtypeStruct((3 * NC * NPAD,), jnp.float32),
        mesh=_mesh,
        scratch_types=[
            pltpu.VMEM((NST, NSR, C), jnp.int32),
            pltpu.VMEM((C,), jnp.float32),
            pltpu.VMEM_SHARED((NPAD,), jnp.float32),
            pltpu.VMEM_SHARED((NPAD,), jnp.float32),
            pltpu.VMEM_SHARED((NPAD,), jnp.float32),
            pltpu.SemaphoreType.DMA,
        ],
    )(d0, d1, d2, zn)


def _sc_edges_body(t0, t1, t2, s0, s1, s2, d0, d1, d2, z2, out,
                   idx_sb, idx_db, rows, gsems, ssems, isem, acc):
    cid = lax.axis_index("c")
    sid = lax.axis_index("s")
    wid = sid * NC + cid
    for r, (tref, sref, dref) in enumerate(((t0, s0, d0), (t1, s1, d1),
                                            (t2, s2, d2))):
        pltpu.sync_copy(z2.at[pl.ds(sid * RPT, RPT)],
                        acc.at[pl.ds(sid * RPT, RPT)])
        plsc.subcore_barrier()

        pltpu.sync_copy(sref.at[wid, 0], idx_sb[0])
        pltpu.sync_copy(dref.at[wid, 0], idx_db[0])
        for st in range(NST):
            idx_s = idx_sb[st % 2]
            idx_d = idx_db[st % 2]
            if st + 1 < NST:
                pltpu.async_copy(sref.at[wid, st + 1], idx_sb[(st + 1) % 2],
                                 isem)
                pltpu.async_copy(dref.at[wid, st + 1], idx_db[(st + 1) % 2],
                                 isem)

            pltpu.async_copy(tref.at[idx_s.at[0]], rows[0], gsems.at[0])
            pltpu.async_copy(tref.at[idx_s.at[1]], rows[1], gsems.at[1])
            pltpu.make_async_copy(tref.at[idx_s.at[0]], rows[0],
                                  gsems.at[0]).wait()
            pltpu.async_copy(rows[0], acc.at[idx_d.at[0]], ssems.at[0],
                             add=True)
            pltpu.async_copy(tref.at[idx_s.at[2]], rows[2], gsems.at[2])

            @pl.loop(0, (NSR - 1) // 3)
            def _(jj):
                for k in range(3):
                    j = 3 * jj + 1 + k
                    kb = (1 + k) % 3
                    kn = k % 3
                    pltpu.make_async_copy(tref.at[idx_s.at[j]], rows[kb],
                                          gsems.at[kb]).wait()
                    pltpu.async_copy(rows[kb], acc.at[idx_d.at[j]],
                                     ssems.at[kb], add=True)
                    nxt = j + 2

                    @pl.when(nxt < NSR)
                    def _():
                        pltpu.make_async_copy(rows[kn], acc.at[idx_d.at[0]],
                                              ssems.at[kn]).wait()
                        pltpu.async_copy(tref.at[idx_s.at[nxt]], rows[kn],
                                         gsems.at[kn])

            for kb in range(3):
                pltpu.make_async_copy(rows[kb], acc.at[idx_d.at[0]],
                                      ssems.at[kb]).wait()
            if st + 1 < NST:
                pltpu.make_async_copy(sref.at[wid, st + 1],
                                      idx_sb[(st + 1) % 2], isem).wait()
                pltpu.make_async_copy(dref.at[wid, st + 1],
                                      idx_db[(st + 1) % 2], isem).wait()

        plsc.subcore_barrier()
        base = (r * NC + cid) * NPAD + sid * RPT
        pltpu.sync_copy(acc.at[pl.ds(sid * RPT, RPT)],
                        out.at[pl.ds(base, RPT)])


def _sc_edges(t0, t1, t2, s0, s1, s2, d0, d1, d2, z2):
    return pl.kernel(
        _sc_edges_body,
        out_type=jax.ShapeDtypeStruct((3 * NC * NPAD, D), jnp.float32),
        mesh=_mesh,
        scratch_types=[
            [pltpu.VMEM((NSR, C), jnp.int32)] * 2,
            [pltpu.VMEM((NSR, C), jnp.int32)] * 2,
            [pltpu.VMEM((C, D), jnp.float32)] * 3,
            pltpu.SemaphoreType.DMA((3,)),
            pltpu.SemaphoreType.DMA((3,)),
            pltpu.SemaphoreType.DMA,
            pltpu.VMEM_SHARED((NPAD, D), jnp.float32),
        ],
    )(t0, t1, t2, s0, s1, s2, d0, d1, d2, z2)



def _dis(degp_ref, r):
    deg = 1.0 + degp_ref[:, 2 * r] + degp_ref[:, 2 * r + 1]
    return lax.rsqrt(deg)


def _tc_prep_body(xp, w0, w1, w2, degp, t0, t1, t2):
    x = xp[...]
    for r, (w, t) in enumerate(((w0, t0), (w1, t1), (w2, t2))):
        dis = _dis(degp, r)
        h = jnp.dot(x, w[...], preferred_element_type=jnp.float32)
        t[...] = h * dis[:, None]


def _tc_prep(xp, w0, w1, w2, degp):
    bs_row = pl.BlockSpec((BN, D), lambda i: (i, 0))
    return pl.pallas_call(
        _tc_prep_body,
        grid=(GRID,),
        in_specs=[
            bs_row,
            pl.BlockSpec((D, D), lambda i: (0, 0)),
            pl.BlockSpec((D, D), lambda i: (0, 0)),
            pl.BlockSpec((D, D), lambda i: (0, 0)),
            pl.BlockSpec((BN, 8), lambda i: (i, 0)),
        ],
        out_specs=[bs_row, bs_row, bs_row],
        out_shape=[jax.ShapeDtypeStruct((N, D), jnp.float32)] * 3,
    )(xp, w0, w1, w2, degp)


def _tc_mid_body(xp, t0, t1, t2, p, degp, b0, b1, b2, w0, w1, w2,
                 o0, o1, o2):
    x = xp[...]
    ts = (t0, t1, t2)
    bs = (b0, b1, b2)
    diss = [_dis(degp, r) for r in range(3)]
    acc = jnp.zeros((BN, D), jnp.float32)
    for r in range(3):
        agg = (p[r, 0] + p[r, 1] + ts[r][...]) * diss[r][:, None] + bs[r][...]
        acc = acc + agg
    h = x + acc * (1.0 / 3.0)
    h = jnp.where(h >= 0.0, h, 0.01 * h)
    for r, (w, o) in enumerate(((w0, o0), (w1, o1), (w2, o2))):
        hw = jnp.dot(h, w[...], preferred_element_type=jnp.float32)
        o[...] = hw * diss[r][:, None]


def _tc_mid(xp, t0, t1, t2, p, degp, b0, b1, b2, w0, w1, w2):
    bs_row = pl.BlockSpec((BN, D), lambda i: (i, 0))
    bs_w = pl.BlockSpec((D, D), lambda i: (0, 0))
    bs_b = pl.BlockSpec((1, D), lambda i: (0, 0))
    return pl.pallas_call(
        _tc_mid_body,
        grid=(GRID,),
        in_specs=[
            bs_row, bs_row, bs_row, bs_row,
            pl.BlockSpec((3, NC, BN, D), lambda i: (0, 0, i, 0)),
            pl.BlockSpec((BN, 8), lambda i: (i, 0)),
            bs_b, bs_b, bs_b,
            bs_w, bs_w, bs_w,
        ],
        out_specs=[bs_row, bs_row, bs_row],
        out_shape=[jax.ShapeDtypeStruct((N, D), jnp.float32)] * 3,
    )(xp, t0, t1, t2, p, degp, b0, b1, b2, w0, w1, w2)


def _tc_final_body(t0, t1, t2, p, degp, b0, b1, b2, o):
    ts = (t0, t1, t2)
    bs = (b0, b1, b2)
    acc = jnp.zeros((BN, D), jnp.float32)
    for r in range(3):
        dis = _dis(degp, r)
        agg = (p[r, 0] + p[r, 1] + ts[r][...]) * dis[:, None] + bs[r][...]
        acc = acc + agg
    o[...] = acc * (1.0 / 3.0)


def _tc_final(t0, t1, t2, p, degp, b0, b1, b2):
    bs_row = pl.BlockSpec((BN, D), lambda i: (i, 0))
    bs_b = pl.BlockSpec((1, D), lambda i: (0, 0))
    return pl.pallas_call(
        _tc_final_body,
        grid=(GRID,),
        in_specs=[
            bs_row, bs_row, bs_row,
            pl.BlockSpec((3, NC, BN, D), lambda i: (0, 0, i, 0)),
            pl.BlockSpec((BN, 8), lambda i: (i, 0)),
            bs_b, bs_b, bs_b,
        ],
        out_specs=bs_row,
        out_shape=jax.ShapeDtypeStruct((N, D), jnp.float32),
    )(t0, t1, t2, p, degp, b0, b1, b2)



def kernel(x, edge_index_parent, edge_index_child, edge_index_relate,
           W1p, b1p, W1c, b1c, W1r, b1r,
           W2p, b2p, W2c, b2c, W2r, b2r):
    s0 = edge_index_parent[0].reshape(NW, NST, NSR, C)
    s1 = edge_index_child[0].reshape(NW, NST, NSR, C)
    s2 = edge_index_relate[0].reshape(NW, NST, NSR, C)
    d0 = edge_index_parent[1].reshape(NW, NST, NSR, C)
    d1 = edge_index_child[1].reshape(NW, NST, NSR, C)
    d2 = edge_index_relate[1].reshape(NW, NST, NSR, C)
    zn = jnp.zeros((NPAD,), jnp.float32)
    z2 = jnp.zeros((NPAD, D), jnp.float32)
    b1s = [b.reshape(1, D) for b in (b1p, b1c, b1r)]
    b2s = [b.reshape(1, D) for b in (b2p, b2c, b2r)]

    degp = _sc_degree(d0, d1, d2, zn).reshape(3 * NC, NPAD)
    degp = jnp.pad(degp.T, ((0, 0), (0, 2)))

    t10, t11, t12 = _tc_prep(x, W1p, W1c, W1r, degp)
    p1 = _sc_edges(t10, t11, t12, s0, s1, s2, d0, d1, d2, z2)
    p1 = p1.reshape(3, NC, NPAD, D)

    t20, t21, t22 = _tc_mid(x, t10, t11, t12, p1, degp,
                            b1s[0], b1s[1], b1s[2], W2p, W2c, W2r)
    p2 = _sc_edges(t20, t21, t22, s0, s1, s2, d0, d1, d2, z2)
    p2 = p2.reshape(3, NC, NPAD, D)

    return _tc_final(t20, t21, t22, p2, degp, b2s[0], b2s[1], b2s[2])

# --- scband reference (transcript-rebuilt; emitter-appended) ---
"""Pipeline reference for scband-hetero-hgnn-32401233281387 (READ-ONLY COPY).

The authoritative reference and input builder live on the scoring server;
editing this copy changes nothing except your own understanding.
"""

import jax, jax.numpy as jnp
import numpy as np

N = 10000
D = 128
E = 320000


def setup_inputs(seed: int = 0) -> dict:
    key = jax.random.key(seed)
    ks = jax.random.split(key, 20)
    inp = {}
    inp["x"] = jax.random.normal(ks[0], (N, D), dtype=jnp.float32)
    inp["edge_index_parent"] = jax.random.randint(ks[1], (2, E), 0, N, dtype=jnp.int32)
    inp["edge_index_child"] = jax.random.randint(ks[2], (2, E), 0, N, dtype=jnp.int32)
    inp["edge_index_relate"] = jax.random.randint(ks[3], (2, E), 0, N, dtype=jnp.int32)
    s = 1.0 / np.sqrt(D)
    names = ["W1p", "W1c", "W1r", "W2p", "W2c", "W2r"]
    for i, n in enumerate(names):
        inp[n] = jax.random.normal(ks[4 + i], (D, D), dtype=jnp.float32) * s
        inp["b" + n[1:]] = jnp.zeros((D,), dtype=jnp.float32)
    return inp


def _gcn(x, edge_index, W, b):
    # PyG GCNConv: add self-loops + symmetric normalization, then linear transform
    src = edge_index[0]
    dst = edge_index[1]
    loop = jnp.arange(N, dtype=src.dtype)
    src = jnp.concatenate([src, loop])
    dst = jnp.concatenate([dst, loop])
    deg = jnp.zeros((N,), jnp.float32).at[dst].add(1.0)
    dis = jnp.where(deg > 0, jax.lax.rsqrt(jnp.maximum(deg, 1e-12)), 0.0)
    norm = dis[src] * dis[dst]
    h = x @ W
    msg = h[src] * norm[:, None]
    out = jnp.zeros((N, h.shape[1]), jnp.float32).at[dst].add(msg)
    return out + b


def reference(x, edge_index_parent, edge_index_child, edge_index_relate,
              W1p, b1p, W1c, b1c, W1r, b1r,
              W2p, b2p, W2c, b2c, W2r, b2r):
    # Layer 1: HeteroConv with aggr='mean' over 3 relation-specific GCNConvs
    o1 = (_gcn(x, edge_index_parent, W1p, b1p)
          + _gcn(x, edge_index_child, W1c, b1c)
          + _gcn(x, edge_index_relate, W1r, b1r)) / 3.0
    h = jax.nn.leaky_relu(x + o1, negative_slope=0.01)
    # Layer 2
    o2 = (_gcn(h, edge_index_parent, W2p, b2p)
          + _gcn(h, edge_index_child, W2c, b2c)
          + _gcn(h, edge_index_relate, W2r, b2r)) / 3.0
    return o2

if __name__ == "__main__":
    import jax
    _d = setup_inputs()
    print(jax.jit(kernel)(*tuple(_d.values())))

</pallas_src>

<mosaic_0001>
#map = affine_map<(d0, d1) -> (0, 0, 0, 0)>
#map1 = affine_map<(d0, d1) -> (0)>
module attributes {stable_mosaic.version = 14 : i64} {
  func.func @_sc_degree_body(%arg0: i32, %arg1: i32, %arg2: memref<32x5x25x80xi32, #tpu.memory_space<hbm>>, %arg3: memref<32x5x25x80xi32, #tpu.memory_space<hbm>>, %arg4: memref<32x5x25x80xi32, #tpu.memory_space<hbm>>, %arg5: memref<10240xf32, #tpu.memory_space<hbm>>, %arg6: memref<61440xf32, #tpu.memory_space<hbm>>, %arg7: memref<5x25x80xi32, #tpu.memory_space<vmem>>, %arg8: memref<80xf32, #tpu.memory_space<vmem>>, %arg9: memref<10240xf32, #tpu.memory_space<vmem_shared>>, %arg10: memref<10240xf32, #tpu.memory_space<vmem_shared>>, %arg11: memref<10240xf32, #tpu.memory_space<vmem_shared>>, %arg12: memref<!tpu.dma_semaphore, #tpu.memory_space<semaphore_mem>>) attributes {dimension_semantics = [#tpu.dimension_semantics<core_parallel>, #tpu.dimension_semantics<subcore_parallel>], iteration_bounds = array<i64: 2, 16>, scalar_prefetch = 0 : i64, scratch_operands = 6 : i64, tpu.core_type = #tpu.core_type<sc_vector_subcore>, window_params = [{transform_indices = #map}, {transform_indices = #map}, {transform_indices = #map}, {transform_indices = #map1}, {transform_indices = #map1}]} {
    %mul3A = arith.constant 2 : i32
    %mul3A_0 = arith.muli %arg1, %mul3A : i32
    %add3A = arith.addi %mul3A_0, %arg0 : i32
    %broadcast_in_dim3A = arith.constant 1.000000e+00 : f32
    %broadcast_in_dim3A_1 = vector.broadcast %broadcast_in_dim3A : f32 to vector<16xf32>
    %swap3A = arith.constant 0 : index
    %swap3A_2 = tpu.vector_load %arg8[%swap3A] {strides = array<i32>} : memref<80xf32, #tpu.memory_space<vmem>>, vector<16xf32>,
    %swap3A_3 = vector.shape_cast %swap3A_2 : vector<16xf32> to vector<16xf32>
    %swap3A_4 = vector.shape_cast %broadcast_in_dim3A_1 : vector<16xf32> to vector<16xf32>
    tpu.vector_store %arg8[%swap3A], %swap3A_4 {strides = array<i32>} : memref<80xf32, #tpu.memory_space<vmem>>, vector<16xf32>,
    %broadcast_in_dim3A_5 = arith.constant 1.000000e+00 : f32
    %broadcast_in_dim3A_6 = vector.broadcast %broadcast_in_dim3A_5 : f32 to vector<16xf32>
    %swap3A_7 = arith.constant 16 : index
    %swap3A_8 = tpu.vector_load %arg8[%swap3A_7] {strides = array<i32>} : memref<80xf32, #tpu.memory_space<vmem>>, vector<16xf32>,
    %swap3A_9 = vector.shape_cast %swap3A_8 : vector<16xf32> to vector<16xf32>
    %swap3A_10 = vector.shape_cast %broadcast_in_dim3A_6 : vector<16xf32> to vector<16xf32>
    tpu.vector_store %arg8[%swap3A_7], %swap3A_10 {strides = array<i32>} : memref<80xf32, #tpu.memory_space<vmem>>, vector<16xf32>,
    %broadcast_in_dim3A_11 = arith.constant 1.000000e+00 : f32
    %broadcast_in_dim3A_12 = vector.broadcast %broadcast_in_dim3A_11 : f32 to vector<16xf32>
    %swap3A_13 = arith.constant 32 : index
    %swap3A_14 = tpu.vector_load %arg8[%swap3A_13] {strides = array<i32>} : memref<80xf32, #tpu.memory_space<vmem>>, vector<16xf32>,
    %swap3A_15 = vector.shape_cast %swap3A_14 : vector<16xf32> to vector<16xf32>
    %swap3A_16 = vector.shape_cast %broadcast_in_dim3A_12 : vector<16xf32> to vector<16xf32>
    tpu.vector_store %arg8[%swap3A_13], %swap3A_16 {strides = array<i32>} : memref<80xf32, #tpu.memory_space<vmem>>, vector<16xf32>,
    %broadcast_in_dim3A_17 = arith.constant 1.000000e+00 : f32
    %broadcast_in_dim3A_18 = vector.broadcast %broadcast_in_dim3A_17 : f32 to vector<16xf32>
    %swap3A_19 = arith.constant 48 : index
    %swap3A_20 = tpu.vector_load %arg8[%swap3A_19] {strides = array<i32>} : memref<80xf32, #tpu.memory_space<vmem>>, vector<16xf32>,
    %swap3A_21 = vector.shape_cast %swap3A_20 : vector<16xf32> to vector<16xf32>
    %swap3A_22 = vector.shape_cast %broadcast_in_dim3A_18 : vector<16xf32> to vector<16xf32>
    tpu.vector_store %arg8[%swap3A_19], %swap3A_22 {strides = array<i32>} : memref<80xf32, #tpu.memory_space<vmem>>, vector<16xf32>,
    %broadcast_in_dim3A_23 = arith.constant 1.000000e+00 : f32
    %broadcast_in_dim3A_24 = vector.broadcast %broadcast_in_dim3A_23 : f32 to vector<16xf32>
    %swap3A_25 = arith.constant 64 : index
    %swap3A_26 = tpu.vector_load %arg8[%swap3A_25] {strides = array<i32>} : memref<80xf32, #tpu.memory_space<vmem>>, vector<16xf32>,
    %swap3A_27 = vector.shape_cast %swap3A_26 : vector<16xf32> to vector<16xf32>
    %swap3A_28 = vector.shape_cast %broadcast_in_dim3A_24 : vector<16xf32> to vector<16xf32>
    tpu.vector_store %arg8[%swap3A_25], %swap3A_28 {strides = array<i32>} : memref<80xf32, #tpu.memory_space<vmem>>, vector<16xf32>,
    %mul3A_29 = arith.constant 640 : i32
    %mul3A_30 = arith.muli %arg1, %mul3A_29 : i32
    %mul3A_31 = arith.constant 640 : i32
    %mul3A_32 = arith.muli %arg1, %mul3A_31 : i32
    "tpu.region"() ({
      %run_scoped3A = tpu.sem_alloc : memref<!tpu.dma_semaphore, #tpu.memory_space<semaphore_mem>>
      %dma_start3A = tpu.memref_slice %arg9[%mul3A_32] : memref<10240xf32, #tpu.memory_space<vmem_shared>> -> memref<640xf32, #tpu.memory_space<vmem_shared>>
      %dma_start3A_98 = tpu.memref_slice %arg5[%mul3A_30] : memref<10240xf32, #tpu.memory_space<hbm>> -> memref<640xf32, #tpu.memory_space<hbm>>
      tpu.enqueue_dma source(%dma_start3A_98 : memref<640xf32, #tpu.memory_space<hbm>>) target(%dma_start3A : memref<640xf32, #tpu.memory_space<vmem_shared>>) target_semaphore(%run_scoped3A : memref<!tpu.dma_semaphore, #tpu.memory_space<semaphore_mem>>)
      %dma_wait3A = tpu.memref_slice %arg9[%mul3A_32] : memref<10240xf32, #tpu.memory_space<vmem_shared>> -> memref<640xf32, #tpu.memory_space<vmem_shared>>
      %dma_wait3A_99 = tpu.memref_slice %arg5[%mul3A_30] : memref<10240xf32, #tpu.memory_space<hbm>> -> memref<640xf32, #tpu.memory_space<hbm>>
      tpu.wait_dma2 semaphore(%run_scoped3A : memref<!tpu.dma_semaphore, #tpu.memory_space<semaphore_mem>>) src(%dma_wait3A_99 : memref<640xf32, #tpu.memory_space<hbm>>) dst(%dma_wait3A : memref<640xf32, #tpu.memory_space<vmem_shared>>)
      tpu.yield
    }) : () -> ()
    %mul3A_33 = arith.constant 640 : i32
    %mul3A_34 = arith.muli %arg1, %mul3A_33 : i32
    %mul3A_35 = arith.constant 640 : i32
    %mul3A_36 = arith.muli %arg1, %mul3A_35 : i32
    "tpu.region"() ({
      %run_scoped3A = tpu.sem_alloc : memref<!tpu.dma_semaphore, #tpu.memory_space<semaphore_mem>>
      %dma_start3A = tpu.memref_slice %arg10[%mul3A_36] : memref<10240xf32, #tpu.memory_space<vmem_shared>> -> memref<640xf32, #tpu.memory_space<vmem_shared>>
      %dma_start3A_98 = tpu.memref_slice %arg5[%mul3A_34] : memref<10240xf32, #tpu.memory_space<hbm>> -> memref<640xf32, #tpu.memory_space<hbm>>
      tpu.enqueue_dma source(%dma_start3A_98 : memref<640xf32, #tpu.memory_space<hbm>>) target(%dma_start3A : memref<640xf32, #tpu.memory_space<vmem_shared>>) target_semaphore(%run_scoped3A : memref<!tpu.dma_semaphore, #tpu.memory_space<semaphore_mem>>)
      %dma_wait3A = tpu.memref_slice %arg10[%mul3A_36] : memref<10240xf32, #tpu.memory_space<vmem_shared>> -> memref<640xf32, #tpu.memory_space<vmem_shared>>
      %dma_wait3A_99 = tpu.memref_slice %arg5[%mul3A_34] : memref<10240xf32, #tpu.memory_space<hbm>> -> memref<640xf32, #tpu.memory_space<hbm>>
      tpu.wait_dma2 semaphore(%run_scoped3A : memref<!tpu.dma_semaphore, #tpu.memory_space<semaphore_mem>>) src(%dma_wait3A_99 : memref<640xf32, #tpu.memory_space<hbm>>) dst(%dma_wait3A : memref<640xf32, #tpu.memory_space<vmem_shared>>)
      tpu.yield
    }) : () -> ()
    %mul3A_37 = arith.constant 640 : i32
    %mul3A_38 = arith.muli %arg1, %mul3A_37 : i32
    %mul3A_39 = arith.constant 640 : i32
    %mul3A_40 = arith.muli %arg1, %mul3A_39 : i32
    "tpu.region"() ({
      %run_scoped3A = tpu.sem_alloc : memref<!tpu.dma_semaphore, #tpu.memory_space<semaphore_mem>>
      %dma_start3A = tpu.memref_slice %arg11[%mul3A_40] : memref<10240xf32, #tpu.memory_space<vmem_shared>> -> memref<640xf32, #tpu.memory_space<vmem_shared>>
      %dma_start3A_98 = tpu.memref_slice %arg5[%mul3A_38] : memref<10240xf32, #tpu.memory_space<hbm>> -> memref<640xf32, #tpu.memory_space<hbm>>
      tpu.enqueue_dma source(%dma_start3A_98 : memref<640xf32, #tpu.memory_space<hbm>>) target(%dma_start3A : memref<640xf32, #tpu.memory_space<vmem_shared>>) target_semaphore(%run_scoped3A : memref<!tpu.dma_semaphore, #tpu.memory_space<semaphore_mem>>)
      %dma_wait3A = tpu.memref_slice %arg11[%mul3A_40] : memref<10240xf32, #tpu.memory_space<vmem_shared>> -> memref<640xf32, #tpu.memory_space<vmem_shared>>
      %dma_wait3A_99 = tpu.memref_slice %arg5[%mul3A_38] : memref<10240xf32, #tpu.memory_space<hbm>> -> memref<640xf32, #tpu.memory_space<hbm>>
      tpu.wait_dma2 semaphore(%run_scoped3A : memref<!tpu.dma_semaphore, #tpu.memory_space<semaphore_mem>>) src(%dma_wait3A_99 : memref<640xf32, #tpu.memory_space<hbm>>) dst(%dma_wait3A : memref<640xf32, #tpu.memory_space<vmem_shared>>)
      tpu.yield
    }) : () -> ()
    %barrier3A = arith.constant 0 : index
    tpu.barrier barrier_id(%barrier3A)
    "tpu.region"() ({
      %run_scoped3A = tpu.sem_alloc : memref<!tpu.dma_semaphore, #tpu.memory_space<semaphore_mem>>
      %dma_start3A = arith.constant 0 : i32
      %dma_start3A_98 = arith.constant 0 : i32
      %dma_start3A_99 = arith.constant 0 : i32
      %dma_start3A_100 = tpu.memref_slice %arg2[%add3A, %dma_start3A, %dma_start3A_98, %dma_start3A_99] : memref<32x5x25x80xi32, #tpu.memory_space<hbm>> -> memref<1x5x25x80xi32, #tpu.memory_space<hbm>>
      %dma_start3A_101 = tpu.memref_squeeze %dma_start3A_100 : memref<1x5x25x80xi32, #tpu.memory_space<hbm>> -> memref<5x25x80xi32, #tpu.memory_space<hbm>>
      %dma_start3A_102 = arith.constant 0 : i32
      %dma_start3A_103 = arith.constant 0 : i32
      %dma_start3A_104 = arith.constant 0 : i32
      %dma_start3A_105 = tpu.memref_slice %arg2[%add3A, %dma_start3A_102, %dma_start3A_103, %dma_start3A_104] : memref<32x5x25x80xi32, #tpu.memory_space<hbm>> -> memref<1x5x25x80xi32, #tpu.memory_space<hbm>>
      %dma_start3A_106 = tpu.memref_squeeze %dma_start3A_105 : memref<1x5x25x80xi32, #tpu.memory_space<hbm>> -> memref<5x25x80xi32, #tpu.memory_space<hbm>>
      tpu.enqueue_dma source(%dma_start3A_106 : memref<5x25x80xi32, #tpu.memory_space<hbm>>) target(%arg7 : memref<5x25x80xi32, #tpu.memory_space<vmem>>) target_semaphore(%run_scoped3A : memref<!tpu.dma_semaphore, #tpu.memory_space<semaphore_mem>>)
      %dma_wait3A = arith.constant 0 : i32
      %dma_wait3A_107 = arith.constant 0 : i32
      %dma_wait3A_108 = arith.constant 0 : i32
      %dma_wait3A_109 = tpu.memref_slice %arg2[%add3A, %dma_wait3A, %dma_wait3A_107, %dma_wait3A_108] : memref<32x5x25x80xi32, #tpu.memory_space<hbm>> -> memref<1x5x25x80xi32, #tpu.memory_space<hbm>>
      %dma_wait3A_110 = tpu.memref_squeeze %dma_wait3A_109 : memref<1x5x25x80xi32, #tpu.memory_space<hbm>> -> memref<5x25x80xi32, #tpu.memory_space<hbm>>
      %dma_wait3A_111 = arith.constant 0 : i32
      %dma_wait3A_112 = arith.constant 0 : i32
      %dma_wait3A_113 = arith.constant 0 : i32
      %dma_wait3A_114 = tpu.memref_slice %arg2[%add3A, %dma_wait3A_111, %dma_wait3A_112, %dma_wait3A_113] : memref<32x5x25x80xi32, #tpu.memory_space<hbm>> -> memref<1x5x25x80xi32, #tpu.memory_space<hbm>>
      %dma_wait3A_115 = tpu.memref_squeeze %dma_wait3A_114 : memref<1x5x25x80xi32, #tpu.memory_space<hbm>> -> memref<5x25x80xi32, #tpu.memory_space<hbm>>
      tpu.wait_dma2 semaphore(%run_scoped3A : memref<!tpu.dma_semaphore, #tpu.memory_space<semaphore_mem>>) src(%dma_wait3A_115 : memref<5x25x80xi32, #tpu.memory_space<hbm>>) dst(%arg7 : memref<5x25x80xi32, #tpu.memory_space<vmem>>)
      tpu.yield
    }) : () -> ()
    %scan3A = arith.constant 0 : i32
    %scan3A_41 = arith.constant 5 : i32
    %scan3A_42 = arith.addi %scan3A, %scan3A_41 : i32
    %scan3A_43 = arith.constant 1 : i32
    scf.for %scan3A_98 = %scan3A to %scan3A_42 step %scan3A_43  : i32 {
      %mul3A_99 = arith.constant 1 : i32
      %mul3A_100 = arith.muli %scan3A_98, %mul3A_99 : i32
      %add3A_101 = arith.constant 0 : i32
      %add3A_102 = arith.addi %add3A_101, %mul3A_100 : i32
      %scan3A_103 = arith.constant 0 : i32
      %scan3A_104 = arith.constant 25 : i32
      %scan3A_105 = arith.addi %scan3A_103, %scan3A_104 : i32
      %scan3A_106 = arith.constant 1 : i32
      scf.for %scan3A_108 = %scan3A_103 to %scan3A_105 step %scan3A_106  : i32 {
        %mul3A_109 = arith.constant 1 : i32
        %mul3A_110 = arith.muli %scan3A_108, %mul3A_109 : i32
        %add3A_111 = arith.constant 0 : i32
        %add3A_112 = arith.addi %add3A_111, %mul3A_110 : i32
        %dma_start3A = arith.constant 0 : i32
        %dma_start3A_113 = tpu.memref_slice %arg7[%add3A_102, %add3A_112, %dma_start3A] : memref<5x25x80xi32, #tpu.memory_space<vmem>> -> memref<1x1x80xi32, #tpu.memory_space<vmem>>
        %dma_start3A_114 = tpu.memref_squeeze %dma_start3A_113 : memref<1x1x80xi32, #tpu.memory_space<vmem>> -> memref<80xi32, #tpu.memory_space<vmem>>
        %dma_start3A_115 = arith.constant 0 : i32
        %dma_start3A_116 = tpu.memref_slice %arg9[%dma_start3A_115] : memref<10240xf32, #tpu.memory_space<vmem_shared>> -> memref<10240xf32, #tpu.memory_space<vmem_shared>>
        tpu.enqueue_indirect_dma source(%arg8 : memref<80xf32, #tpu.memory_space<vmem>>) target(%dma_start3A_116 : memref<10240xf32, #tpu.memory_space<vmem_shared>>) offsets(%dma_start3A_114 : memref<80xi32, #tpu.memory_space<vmem>>) semaphore(%arg12 : memref<!tpu.dma_semaphore, #tpu.memory_space<semaphore_mem>>) {add = true}
      }
      %scan3A_107 = arith.constant 25 : i32
    }
    %scan3A_44 = arith.constant 5 : i32
    %scan3A_45 = arith.constant 0 : i32
    %scan3A_46 = arith.constant 125 : i32
    %scan3A_47 = arith.addi %scan3A_45, %scan3A_46 : i32
    %scan3A_48 = arith.constant 1 : i32
    scf.for %scan3A_98 = %scan3A_45 to %scan3A_47 step %scan3A_48  : i32 {
      %mul3A_99 = arith.constant 1 : i32
      %mul3A_100 = arith.muli %scan3A_98, %mul3A_99 : i32
      %add3A_101 = arith.constant 0 : i32
      %add3A_102 = arith.addi %add3A_101, %mul3A_100 : i32
      %dma_wait3A = arith.constant 0 : i32
      %dma_wait3A_103 = arith.constant 0 : i32
      %dma_wait3A_104 = arith.constant 0 : i32
      %dma_wait3A_105 = tpu.memref_slice %arg7[%dma_wait3A, %dma_wait3A_103, %dma_wait3A_104] : memref<5x25x80xi32, #tpu.memory_space<vmem>> -> memref<1x1x80xi32, #tpu.memory_space<vmem>>
      %dma_wait3A_106 = tpu.memref_squeeze %dma_wait3A_105 : memref<1x1x80xi32, #tpu.memory_space<vmem>> -> memref<80xi32, #tpu.memory_space<vmem>>
      %dma_wait3A_107 = arith.constant 0 : i32
      %dma_wait3A_108 = tpu.memref_slice %arg9[%dma_wait3A_107] : memref<10240xf32, #tpu.memory_space<vmem_shared>> -> memref<10240xf32, #tpu.memory_space<vmem_shared>>
      tpu.wait_indirect_dma semaphore(%arg12 : memref<!tpu.dma_semaphore, #tpu.memory_space<semaphore_mem>>) src(%arg8 : memref<80xf32, #tpu.memory_space<vmem>>) dst(%dma_wait3A_108 : memref<10240xf32, #tpu.memory_space<vmem_shared>>)
    }
    %scan3A_49 = arith.constant 125 : i32
    "tpu.region"() ({
      %run_scoped3A = tpu.sem_alloc : memref<!tpu.dma_semaphore, #tpu.memory_space<semaphore_mem>>
      %dma_start3A = arith.constant 0 : i32
      %dma_start3A_98 = arith.constant 0 : i32
      %dma_start3A_99 = arith.constant 0 : i32
      %dma_start3A_100 = tpu.memref_slice %arg3[%add3A, %dma_start3A, %dma_start3A_98, %dma_start3A_99] : memref<32x5x25x80xi32, #tpu.memory_space<hbm>> -> memref<1x5x25x80xi32, #tpu.memory_space<hbm>>
      %dma_start3A_101 = tpu.memref_squeeze %dma_start3A_100 : memref<1x5x25x80xi32, #tpu.memory_space<hbm>> -> memref<5x25x80xi32, #tpu.memory_space<hbm>>
      %dma_start3A_102 = arith.constant 0 : i32
      %dma_start3A_103 = arith.constant 0 : i32
      %dma_start3A_104 = arith.constant 0 : i32
      %dma_start3A_105 = tpu.memref_slice %arg3[%add3A, %dma_start3A_102, %dma_start3A_103, %dma_start3A_104] : memref<32x5x25x80xi32, #tpu.memory_space<hbm>> -> memref<1x5x25x80xi32, #tpu.memory_space<hbm>>
      %dma_start3A_106 = tpu.memref_squeeze %dma_start3A_105 : memref<1x5x25x80xi32, #tpu.memory_space<hbm>> -> memref<5x25x80xi32, #tpu.memory_space<hbm>>
      tpu.enqueue_dma source(%dma_start3A_106 : memref<5x25x80xi32, #tpu.memory_space<hbm>>) target(%arg7 : memref<5x25x80xi32, #tpu.memory_space<vmem>>) target_semaphore(%run_scoped3A : memref<!tpu.dma_semaphore, #tpu.memory_space<semaphore_mem>>)
      %dma_wait3A = arith.constant 0 : i32
      %dma_wait3A_107 = arith.constant 0 : i32
      %dma_wait3A_108 = arith.constant 0 : i32
      %dma_wait3A_109 = tpu.memref_slice %arg3[%add3A, %dma_wait3A, %dma_wait3A_107, %dma_wait3A_108] : memref<32x5x25x80xi32, #tpu.memory_space<hbm>> -> memref<1x5x25x80xi32, #tpu.memory_space<hbm>>
      %dma_wait3A_110 = tpu.memref_squeeze %dma_wait3A_109 : memref<1x5x25x80xi32, #tpu.memory_space<hbm>> -> memref<5x25x80xi32, #tpu.memory_space<hbm>>
      %dma_wait3A_111 = arith.constant 0 : i32
      %dma_wait3A_112 = arith.constant 0 : i32
      %dma_wait3A_113 = arith.constant 0 : i32
      %dma_wait3A_114 = tpu.memref_slice %arg3[%add3A, %dma_wait3A_111, %dma_wait3A_112, %dma_wait3A_113] : memref<32x5x25x80xi32, #tpu.memory_space<hbm>> -> memref<1x5x25x80xi32, #tpu.memory_space<hbm>>
      %dma_wait3A_115 = tpu.memref_squeeze %dma_wait3A_114 : memref<1x5x25x80xi32, #tpu.memory_space<hbm>> -> memref<5x25x80xi32, #tpu.memory_space<hbm>>
      tpu.wait_dma2 semaphore(%run_scoped3A : memref<!tpu.dma_semaphore, #tpu.memory_space<semaphore_mem>>) src(%dma_wait3A_115 : memref<5x25x80xi32, #tpu.memory_space<hbm>>) dst(%arg7 : memref<5x25x80xi32, #tpu.memory_space<vmem>>)
      tpu.yield
    }) : () -> ()
    %scan3A_50 = arith.constant 0 : i32
    %scan3A_51 = arith.constant 5 : i32
    %scan3A_52 = arith.addi %scan3A_50, %scan3A_51 : i32
    %scan3A_53 = arith.constant 1 : i32
    scf.for %scan3A_98 = %scan3A_50 to %scan3A_52 step %scan3A_53  : i32 {
      %mul3A_99 = arith.constant 1 : i32
      %mul3A_100 = arith.muli %scan3A_98, %mul3A_99 : i32
      %add3A_101 = arith.constant 0 : i32
      %add3A_102 = arith.addi %add3A_101, %mul3A_100 : i32
      %scan3A_103 = arith.constant 0 : i32
      %scan3A_104 = arith.constant 25 : i32
      %scan3A_105 = arith.addi %scan3A_103, %scan3A_104 : i32
      %scan3A_106 = arith.constant 1 : i32
      scf.for %scan3A_108 = %scan3A_103 to %scan3A_105 step %scan3A_106  : i32 {
        %mul3A_109 = arith.constant 1 : i32
        %mul3A_110 = arith.muli %scan3A_108, %mul3A_109 : i32
        %add3A_111 = arith.constant 0 : i32
        %add3A_112 = arith.addi %add3A_111, %mul3A_110 : i32
        %dma_start3A = arith.constant 0 : i32
        %dma_start3A_113 = tpu.memref_slice %arg7[%add3A_102, %add3A_112, %dma_start3A] : memref<5x25x80xi32, #tpu.memory_space<vmem>> -> memref<1x1x80xi32, #tpu.memory_space<vmem>>
        %dma_start3A_114 = tpu.memref_squeeze %dma_start3A_113 : memref<1x1x80xi32, #tpu.memory_space<vmem>> -> memref<80xi32, #tpu.memory_space<vmem>>
        %dma_start3A_115 = arith.constant 0 : i32
        %dma_start3A_116 = tpu.memref_slice %arg10[%dma_start3A_115] : memref<10240xf32, #tpu.memory_space<vmem_shared>> -> memref<10240xf32, #tpu.memory_space<vmem_shared>>
        tpu.enqueue_indirect_dma source(%arg8 : memref<80xf32, #tpu.memory_space<vmem>>) target(%dma_start3A_116 : memref<10240xf32, #tpu.memory_space<vmem_shared>>) offsets(%dma_start3A_114 : memref<80xi32, #tpu.memory_space<vmem>>) semaphore(%arg12 : memref<!tpu.dma_semaphore, #tpu.memory_space<semaphore_mem>>) {add = true}
      }
      %scan3A_107 = arith.constant 25 : i32
    }
    %scan3A_54 = arith.constant 5 : i32
    %scan3A_55 = arith.constant 0 : i32
    %scan3A_56 = arith.constant 125 : i32
    %scan3A_57 = arith.addi %scan3A_55, %scan3A_56 : i32
    %scan3A_58 = arith.constant 1 : i32
    scf.for %scan3A_98 = %scan3A_55 to %scan3A_57 step %scan3A_58  : i32 {
      %mul3A_99 = arith.constant 1 : i32
      %mul3A_100 = arith.muli %scan3A_98, %mul3A_99 : i32
      %add3A_101 = arith.constant 0 : i32
      %add3A_102 = arith.addi %add3A_101, %mul3A_100 : i32
      %dma_wait3A = arith.constant 0 : i32
      %dma_wait3A_103 = arith.constant 0 : i32
      %dma_wait3A_104 = arith.constant 0 : i32
      %dma_wait3A_105 = tpu.memref_slice %arg7[%dma_wait3A, %dma_wait3A_103, %dma_wait3A_104] : memref<5x25x80xi32, #tpu.memory_space<vmem>> -> memref<1x1x80xi32, #tpu.memory_space<vmem>>
      %dma_wait3A_106 = tpu.memref_squeeze %dma_wait3A_105 : memref<1x1x80xi32, #tpu.memory_space<vmem>> -> memref<80xi32, #tpu.memory_space<vmem>>
      %dma_wait3A_107 = arith.constant 0 : i32
      %dma_wait3A_108 = tpu.memref_slice %arg10[%dma_wait3A_107] : memref<10240xf32, #tpu.memory_space<vmem_shared>> -> memref<10240xf32, #tpu.memory_space<vmem_shared>>
      tpu.wait_indirect_dma semaphore(%arg12 : memref<!tpu.dma_semaphore, #tpu.memory_space<semaphore_mem>>) src(%arg8 : memref<80xf32, #tpu.memory_space<vmem>>) dst(%dma_wait3A_108 : memref<10240xf32, #tpu.memory_space<vmem_shared>>)
    }
    %scan3A_59 = arith.constant 125 : i32
    "tpu.region"() ({
      %run_scoped3A = tpu.sem_alloc : memref<!tpu.dma_semaphore, #tpu.memory_space<semaphore_mem>>
      %dma_start3A = arith.constant 0 : i32
      %dma_start3A_98 = arith.constant 0 : i32
      %dma_start3A_99 = arith.constant 0 : i32
      %dma_start3A_100 = tpu.memref_slice %arg4[%add3A, %dma_start3A, %dma_start3A_98, %dma_start3A_99] : memref<32x5x25x80xi32, #tpu.memory_space<hbm>> -> memref<1x5x25x80xi32, #tpu.memory_space<hbm>>
      %dma_start3A_101 = tpu.memref_squeeze %dma_start3A_100 : memref<1x5x25x80xi32, #tpu.memory_space<hbm>> -> memref<5x25x80xi32, #tpu.memory_space<hbm>>
      %dma_start3A_102 = arith.constant 0 : i32
      %dma_start3A_103 = arith.constant 0 : i32
      %dma_start3A_104 = arith.constant 0 : i32
      %dma_start3A_105 = tpu.memref_slice %arg4[%add3A, %dma_start3A_102, %dma_start3A_103, %dma_start3A_104] : memref<32x5x25x80xi32, #tpu.memory_space<hbm>> -> memref<1x5x25x80xi32, #tpu.memory_space<hbm>>
      %dma_start3A_106 = tpu.memref_squeeze %dma_start3A_105 : memref<1x5x25x80xi32, #tpu.memory_space<hbm>> -> memref<5x25x80xi32, #tpu.memory_space<hbm>>
      tpu.enqueue_dma source(%dma_start3A_106 : memref<5x25x80xi32, #tpu.memory_space<hbm>>) target(%arg7 : memref<5x25x80xi32, #tpu.memory_space<vmem>>) target_semaphore(%run_scoped3A : memref<!tpu.dma_semaphore, #tpu.memory_space<semaphore_mem>>)
      %dma_wait3A = arith.constant 0 : i32
      %dma_wait3A_107 = arith.constant 0 : i32
      %dma_wait3A_108 = arith.constant 0 : i32
      %dma_wait3A_109 = tpu.memref_slice %arg4[%add3A, %dma_wait3A, %dma_wait3A_107, %dma_wait3A_108] : memref<32x5x25x80xi32, #tpu.memory_space<hbm>> -> memref<1x5x25x80xi32, #tpu.memory_space<hbm>>
      %dma_wait3A_110 = tpu.memref_squeeze %dma_wait3A_109 : memref<1x5x25x80xi32, #tpu.memory_space<hbm>> -> memref<5x25x80xi32, #tpu.memory_space<hbm>>
      %dma_wait3A_111 = arith.constant 0 : i32
      %dma_wait3A_112 = arith.constant 0 : i32
      %dma_wait3A_113 = arith.constant 0 : i32
      %dma_wait3A_114 = tpu.memref_slice %arg4[%add3A, %dma_wait3A_111, %dma_wait3A_112, %dma_wait3A_113] : memref<32x5x25x80xi32, #tpu.memory_space<hbm>> -> memref<1x5x25x80xi32, #tpu.memory_space<hbm>>
      %dma_wait3A_115 = tpu.memref_squeeze %dma_wait3A_114 : memref<1x5x25x80xi32, #tpu.memory_space<hbm>> -> memref<5x25x80xi32, #tpu.memory_space<hbm>>
      tpu.wait_dma2 semaphore(%run_scoped3A : memref<!tpu.dma_semaphore, #tpu.memory_space<semaphore_mem>>) src(%dma_wait3A_115 : memref<5x25x80xi32, #tpu.memory_space<hbm>>) dst(%arg7 : memref<5x25x80xi32, #tpu.memory_space<vmem>>)
      tpu.yield
    }) : () -> ()
    %scan3A_60 = arith.constant 0 : i32
    %scan3A_61 = arith.constant 5 : i32
    %scan3A_62 = arith.addi %scan3A_60, %scan3A_61 : i32
    %scan3A_63 = arith.constant 1 : i32
    scf.for %scan3A_98 = %scan3A_60 to %scan3A_62 step %scan3A_63  : i32 {
      %mul3A_99 = arith.constant 1 : i32
      %mul3A_100 = arith.muli %scan3A_98, %mul3A_99 : i32
      %add3A_101 = arith.constant 0 : i32
      %add3A_102 = arith.addi %add3A_101, %mul3A_100 : i32
      %scan3A_103 = arith.constant 0 : i32
      %scan3A_104 = arith.constant 25 : i32
      %scan3A_105 = arith.addi %scan3A_103, %scan3A_104 : i32
      %scan3A_106 = arith.constant 1 : i32
      scf.for %scan3A_108 = %scan3A_103 to %scan3A_105 step %scan3A_106  : i32 {
        %mul3A_109 = arith.constant 1 : i32
        %mul3A_110 = arith.muli %scan3A_108, %mul3A_109 : i32
        %add3A_111 = arith.constant 0 : i32
        %add3A_112 = arith.addi %add3A_111, %mul3A_110 : i32
        %dma_start3A = arith.constant 0 : i32
        %dma_start3A_113 = tpu.memref_slice %arg7[%add3A_102, %add3A_112, %dma_start3A] : memref<5x25x80xi32, #tpu.memory_space<vmem>> -> memref<1x1x80xi32, #tpu.memory_space<vmem>>
        %dma_start3A_114 = tpu.memref_squeeze %dma_start3A_113 : memref<1x1x80xi32, #tpu.memory_space<vmem>> -> memref<80xi32, #tpu.memory_space<vmem>>
        %dma_start3A_115 = arith.constant 0 : i32
        %dma_start3A_116 = tpu.memref_slice %arg11[%dma_start3A_115] : memref<10240xf32, #tpu.memory_space<vmem_shared>> -> memref<10240xf32, #tpu.memory_space<vmem_shared>>
        tpu.enqueue_indirect_dma source(%arg8 : memref<80xf32, #tpu.memory_space<vmem>>) target(%dma_start3A_116 : memref<10240xf32, #tpu.memory_space<vmem_shared>>) offsets(%dma_start3A_114 : memref<80xi32, #tpu.memory_space<vmem>>) semaphore(%arg12 : memref<!tpu.dma_semaphore, #tpu.memory_space<semaphore_mem>>) {add = true}
      }
      %scan3A_107 = arith.constant 25 : i32
    }
    %scan3A_64 = arith.constant 5 : i32
    %scan3A_65 = arith.constant 0 : i32
    %scan3A_66 = arith.constant 125 : i32
    %scan3A_67 = arith.addi %scan3A_65, %scan3A_66 : i32
    %scan3A_68 = arith.constant 1 : i32
    scf.for %scan3A_98 = %scan3A_65 to %scan3A_67 step %scan3A_68  : i32 {
      %mul3A_99 = arith.constant 1 : i32
      %mul3A_100 = arith.muli %scan3A_98, %mul3A_99 : i32
      %add3A_101 = arith.constant 0 : i32
      %add3A_102 = arith.addi %add3A_101, %mul3A_100 : i32
      %dma_wait3A = arith.constant 0 : i32
      %dma_wait3A_103 = arith.constant 0 : i32
      %dma_wait3A_104 = arith.constant 0 : i32
      %dma_wait3A_105 = tpu.memref_slice %arg7[%dma_wait3A, %dma_wait3A_103, %dma_wait3A_104] : memref<5x25x80xi32, #tpu.memory_space<vmem>> -> memref<1x1x80xi32, #tpu.memory_space<vmem>>
      %dma_wait3A_106 = tpu.memref_squeeze %dma_wait3A_105 : memref<1x1x80xi32, #tpu.memory_space<vmem>> -> memref<80xi32, #tpu.memory_space<vmem>>
      %dma_wait3A_107 = arith.constant 0 : i32
      %dma_wait3A_108 = tpu.memref_slice %arg11[%dma_wait3A_107] : memref<10240xf32, #tpu.memory_space<vmem_shared>> -> memref<10240xf32, #tpu.memory_space<vmem_shared>>
      tpu.wait_indirect_dma semaphore(%arg12 : memref<!tpu.dma_semaphore, #tpu.memory_space<semaphore_mem>>) src(%arg8 : memref<80xf32, #tpu.memory_space<vmem>>) dst(%dma_wait3A_108 : memref<10240xf32, #tpu.memory_space<vmem_shared>>)
    }
    %scan3A_69 = arith.constant 125 : i32
    %barrier3A_70 = arith.constant 0 : index
    tpu.barrier barrier_id(%barrier3A_70)
    %add3A_71 = arith.constant 0 : i32
    %add3A_72 = arith.addi %add3A_71, %arg0 : i32
    %mul3A_73 = arith.constant 10240 : i32
    %mul3A_74 = arith.muli %add3A_72, %mul3A_73 : i32
    %mul3A_75 = arith.constant 640 : i32
    %mul3A_76 = arith.muli %arg1, %mul3A_75 : i32
    %add3A_77 = arith.addi %mul3A_74, %mul3A_76 : i32
    %mul3A_78 = arith.constant 640 : i32
    %mul3A_79 = arith.muli %arg1, %mul3A_78 : i32
    "tpu.region"() ({
      %run_scoped3A = tpu.sem_alloc : memref<!tpu.dma_semaphore, #tpu.memory_space<semaphore_mem>>
      %dma_start3A = tpu.memref_slice %arg6[%add3A_77] : memref<61440xf32, #tpu.memory_space<hbm>> -> memref<640xf32, #tpu.memory_space<hbm>>
      %dma_start3A_98 = tpu.memref_slice %arg9[%mul3A_79] : memref<10240xf32, #tpu.memory_space<vmem_shared>> -> memref<640xf32, #tpu.memory_space<vmem_shared>>
      tpu.enqueue_dma source(%dma_start3A_98 : memref<640xf32, #tpu.memory_space<vmem_shared>>) target(%dma_start3A : memref<640xf32, #tpu.memory_space<hbm>>) target_semaphore(%run_scoped3A : memref<!tpu.dma_semaphore, #tpu.memory_space<semaphore_mem>>)
      %dma_wait3A = tpu.memref_slice %arg6[%add3A_77] : memref<61440xf32, #tpu.memory_space<hbm>> -> memref<640xf32, #tpu.memory_space<hbm>>
      %dma_wait3A_99 = tpu.memref_slice %arg9[%mul3A_79] : memref<10240xf32, #tpu.memory_space<vmem_shared>> -> memref<640xf32, #tpu.memory_space<vmem_shared>>
      tpu.wait_dma2 semaphore(%run_scoped3A : memref<!tpu.dma_semaphore, #tpu.memory_space<semaphore_mem>>) src(%dma_wait3A_99 : memref<640xf32, #tpu.memory_space<vmem_shared>>) dst(%dma_wait3A : memref<640xf32, #tpu.memory_space<hbm>>)
      tpu.yield
    }) : () -> ()
    %add3A_80 = arith.constant 2 : i32
    %add3A_81 = arith.addi %add3A_80, %arg0 : i32
    %mul3A_82 = arith.constant 10240 : i32
    %mul3A_83 = arith.muli %add3A_81, %mul3A_82 : i32
    %mul3A_84 = arith.constant 640 : i32
    %mul3A_85 = arith.muli %arg1, %mul3A_84 : i32
    %add3A_86 = arith.addi %mul3A_83, %mul3A_85 : i32
    %mul3A_87 = arith.constant 640 : i32
    %mul3A_88 = arith.muli %arg1, %mul3A_87 : i32
    "tpu.region"() ({
      %run_scoped3A = tpu.sem_alloc : memref<!tpu.dma_semaphore, #tpu.memory_space<semaphore_mem>>
      %dma_start3A = tpu.memref_slice %arg6[%add3A_86] : memref<61440xf32, #tpu.memory_space<hbm>> -> memref<640xf32, #tpu.memory_space<hbm>>
      %dma_start3A_98 = tpu.memref_slice %arg10[%mul3A_88] : memref<10240xf32, #tpu.memory_space<vmem_shared>> -> memref<640xf32, #tpu.memory_space<vmem_shared>>
      tpu.enqueue_dma source(%dma_start3A_98 : memref<640xf32, #tpu.memory_space<vmem_shared>>) target(%dma_start3A : memref<640xf32, #tpu.memory_space<hbm>>) target_semaphore(%run_scoped3A : memref<!tpu.dma_semaphore, #tpu.memory_space<semaphore_mem>>)
      %dma_wait3A = tpu.memref_slice %arg6[%add3A_86] : memref<61440xf32, #tpu.memory_space<hbm>> -> memref<640xf32, #tpu.memory_space<hbm>>
      %dma_wait3A_99 = tpu.memref_slice %arg10[%mul3A_88] : memref<10240xf32, #tpu.memory_space<vmem_shared>> -> memref<640xf32, #tpu.memory_space<vmem_shared>>
      tpu.wait_dma2 semaphore(%run_scoped3A : memref<!tpu.dma_semaphore, #tpu.memory_space<semaphore_mem>>) src(%dma_wait3A_99 : memref<640xf32, #tpu.memory_space<vmem_shared>>) dst(%dma_wait3A : memref<640xf32, #tpu.memory_space<hbm>>)
      tpu.yield
    }) : () -> ()
    %add3A_89 = arith.constant 4 : i32
    %add3A_90 = arith.addi %add3A_89, %arg0 : i32
    %mul3A_91 = arith.constant 10240 : i32
    %mul3A_92 = arith.muli %add3A_90, %mul3A_91 : i32
    %mul3A_93 = arith.constant 640 : i32
    %mul3A_94 = arith.muli %arg1, %mul3A_93 : i32
    %add3A_95 = arith.addi %mul3A_92, %mul3A_94 : i32
    %mul3A_96 = arith.constant 640 : i32
    %mul3A_97 = arith.muli %arg1, %mul3A_96 : i32
    "tpu.region"() ({
      %run_scoped3A = tpu.sem_alloc : memref<!tpu.dma_semaphore, #tpu.memory_space<semaphore_mem>>
      %dma_start3A = tpu.memref_slice %arg6[%add3A_95] : memref<61440xf32, #tpu.memory_space<hbm>> -> memref<640xf32, #tpu.memory_space<hbm>>
      %dma_start3A_98 = tpu.memref_slice %arg11[%mul3A_97] : memref<10240xf32, #tpu.memory_space<vmem_shared>> -> memref<640xf32, #tpu.memory_space<vmem_shared>>
      tpu.enqueue_dma source(%dma_start3A_98 : memref<640xf32, #tpu.memory_space<vmem_shared>>) target(%dma_start3A : memref<640xf32, #tpu.memory_space<hbm>>) target_semaphore(%run_scoped3A : memref<!tpu.dma_semaphore, #tpu.memory_space<semaphore_mem>>)
      %dma_wait3A = tpu.memref_slice %arg6[%add3A_95] : memref<61440xf32, #tpu.memory_space<hbm>> -> memref<640xf32, #tpu.memory_space<hbm>>
      %dma_wait3A_99 = tpu.memref_slice %arg11[%mul3A_97] : memref<10240xf32, #tpu.memory_space<vmem_shared>> -> memref<640xf32, #tpu.memory_space<vmem_shared>>
      tpu.wait_dma2 semaphore(%run_scoped3A : memref<!tpu.dma_semaphore, #tpu.memory_space<semaphore_mem>>) src(%dma_wait3A_99 : memref<640xf32, #tpu.memory_space<vmem_shared>>) dst(%dma_wait3A : memref<640xf32, #tpu.memory_space<hbm>>)
      tpu.yield
    }) : () -> ()
    return
  }
}

</mosaic_0001>

<sc_bundles>
// kernel: _sc_degree.3.cloned.1.call-start
scs
__scs_entry_jumppad:
0x0: {  	(pc) =	sbr.rel $0x88, $3  }
0x1: {  	(tag) =	ssettag $0x0;
	lr =	simm.s32 $0x1  }
0x2: {  	[smem:$0x3F9D] =	sst lr;
	_ =	strace $0xD0000000  }
0x3: {  	_ = 	snop  }
0x4: {  	_ = 	snop  }
0x5: {  	_ = 	snop  }
0x6: {  	_ = 	snop  }
0x7: {  	_ = 	snop  }
__scs_overlays_trampoline_lowered:
0x8: {  	[smem:$0x3FAC] =	sst s0  }
0x9: {  	[smem:$0x3FAD] =	sst s1  }
0xa: {  	[smem:$0x3FAE] =	sst s2  }
0xb: {  	[smem:$0x3FAF] =	sst s3  }
0xc: {  	[smem:$0x3FB0] =	sst s4  }
0xd: {  	[smem:$0x3FB1] =	sst s5  }
0xe: {  	[smem:$0x3FB2] =	sst s6  }
0xf: {  	[smem:$0x3FB3] =	sst s7  }
0x10: {  	[smem:$0x3FB4] =	sst s8  }
0x11: {  	[smem:$0x3FB5] =	sst s9;
	s0 =	simm.s32 @!p0 $0x0  }
0x12: {  	s1 =	sld [smem:$0x3F9B];
	s0 =	simm.s32 @p0 $0x1  }
0x13: {  	[smem:$0x3FB6] =	sst s0;
	s0 =	simm.s32 @!p1 $0x0  }
0x14: {  	s2 =	sld [smem:$0x3F9A];
	s0 =	simm.s32 @p1 $0x1  }
0x15: {  	[smem:$0x3FB7] =	sst s0;
	s0 =	simm.s32 @!p2 $0x0  }
0x16: {  	s3 =	sld [smem:$0x3FDB];
	s0 =	simm.s32 @p2 $0x1  }
0x17: {  	s4 =	simm.s32 $0x1BF5;
	[smem:$0x3FB9] =	sst s0  }
0x18: {  	s0 =	sld [smem:$0x3F9C];
	_ =	swait.ge [sflag:s4], $0x0  }
0x19: {  	s7 =	sld [smem:$0x3F9D]  }
0x1a: {  	s8 =	sadd.s32 $0xFFFFE003, lr  }
0x1b: {  	s9 =	sadd.s32 $0xFFFFFEF7, lr;
	s5 =	simm.s32 $0xFFFFFFFF;
	p2 =	slt.u32 s8, $0xFFFFF086  }
0x1c: {  	p1 =	slt.u32 s9, $0xF7A;
	s5 =	simm.s32 @!p2 $0x0  }
0x1d: {  	s5 =	simm.s32 @p1 $0x1;
	p0 =	seq.s32 s7, s2  }
0x1e: {  	s7 =	smul.u32 @!p0 $0xF7A, s2;
	p2 =	seq.s32 @!p0 s5, $0x0  }
0x1f: {  	s9 =	smul.u32 $0xF7A, s1;
	s8 =	simm.s32 @!p0 $0x1BF5;
	p2 =	por !p2, p0  }
0x20: {  	[sflag:s8] =	ssyncset.s32 @!p0 $0xFFFFF086;
	s6 =	sadd.s32 @!p0 s3, s7;
	s7 =	simm.s32 @!p0 $0x108  }
0x21: {  	s3 =	sadd.s32 s3, s9;
	s6 =	sadd.s32 @!p0 $0x88, s6;
	s7 =	simm.s32 @p2 $0x1082  }
0x22: {  	[simem:s7], [sflag:s8] =	dma.local @!p0 [hbm:s6], $0xF7A  }
0x23: {  	s9 =	sor.u32 $0xD0000000, s2;
	s6 =	simm.s32 $0x108;
	_ =	swait.ge @!p0 [sflag:s8], $0x0  }
0x24: {  	s3 =	sadd.s32 $0x88, s3;
	s6 =	simm.s32 @!p1 $0x1082;
	[sflag:s4] =	ssyncset.s32 $0xFFFFF086  }
0x25: {  	[simem:s6], [sflag:s4] =	dma.local [hbm:s3], $0xF7A  }
0x26: {  	[smem:$0x3F9D] =	sst s1;
	(tag) =	ssettag s2;
	_ =	strace s9  }
0x27: {  	s1 =	sld [smem:$0x3FAD]  }
0x28: {  	s2 =	sld [smem:$0x3FAE]  }
0x29: {  	s4 =	sld [smem:$0x3FB0]  }
0x2a: {  	p0 =	seq.s32 s5, $0x0;
	s5 =	sld [smem:$0x3FB1]  }
0x2b: {  	s6 =	sld [smem:$0x3FB2]  }
0x2c: {  	s7 =	sld [smem:$0x3FB3]  }
0x2d: {  	s3 =	simm.s32 $0x108;
	s8 =	sld [smem:$0x3FB4]  }
0x2e: {  	s3 =	simm.s32 @!p0 $0x1082;
	s9 =	sld [smem:$0x3FB5]  }
0x2f: {  	lr =	sadd.s32 s0, s3;
	s0 =	sld [smem:$0x3FAC]  }
0x30: {  	s3 =	sld [smem:$0x3FAF]  }
0x31: {  	[smem:$0x3FB8] =	sst s10  }
0x32: {  	s10 =	sld [smem:$0x3FB6];
	_ =	sdelay $0x3  }
0x33: {  	p0 =	seq.s32 s10, $0x1;
	s10 =	sld [smem:$0x3FB8];
	_ =	sdelay $0x3  }
0x34: {  	[smem:$0x3FB8] =	sst s10  }
0x35: {  	s10 =	sld [smem:$0x3FB7];
	_ =	sdelay $0x3  }
0x36: {  	p1 =	seq.s32 s10, $0x1;
	s10 =	sld [smem:$0x3FB8];
	_ =	sdelay $0x3  }
0x37: {  	[smem:$0x3FB8] =	sst s10  }
0x38: {  	s10 =	sld [smem:$0x3FB9]  }
0x39: {  	_ = 	snop;
	(pc) =	sbr.ind lr, $3  }
0x3a: {  	_ = 	snop  }
0x3b: {  	_ = 	snop  }
0x3c: {  	p2 =	seq.s32 s10, $0x1;
	s10 =	sld [smem:$0x3FB8]  }
0x3d: {  	_ =	shalt  }
0x3e: {  	_ =	shalt  }
0x3f: {  	_ =	shalt  }
0x40: {  	_ =	shalt  }
0x41: {  	_ =	shalt  }
0x42: {  	_ =	shalt  }
0x43: {  	_ =	shalt  }
0x44: {  	_ =	shalt  }
0x45: {  	_ =	shalt  }
0x46: {  	_ =	shalt  }
0x47: {  	_ =	shalt  }
0x48: {  	_ =	shalt  }
0x49: {  	_ =	shalt  }
0x4a: {  	_ =	shalt  }
0x4b: {  	_ =	shalt  }
0x4c: {  	_ =	shalt  }
0x4d: {  	_ =	shalt  }
0x4e: {  	_ =	shalt  }
0x4f: {  	_ =	shalt  }
0x50: {  	_ =	shalt  }
0x51: {  	_ =	shalt  }
0x52: {  	_ =	shalt  }
0x53: {  	_ =	shalt  }
0x54: {  	_ =	shalt  }
0x55: {  	_ =	shalt  }
0x56: {  	_ =	shalt  }
0x57: {  	_ =	shalt  }
0x58: {  	_ =	shalt  }
0x59: {  	_ =	shalt  }
0x5a: {  	_ =	shalt  }
0x5b: {  	_ =	shalt  }
0x5c: {  	_ =	shalt  }
0x5d: {  	_ =	shalt  }
0x5e: {  	_ =	shalt  }
0x5f: {  	_ =	shalt  }
0x60: {  	_ =	shalt  }
0x61: {  	_ =	shalt  }
0x62: {  	_ =	shalt  }
0x63: {  	_ =	shalt  }
0x64: {  	_ =	shalt  }
0x65: {  	_ =	shalt  }
0x66: {  	_ =	shalt  }
0x67: {  	_ =	shalt  }
0x68: {  	_ =	shalt  }
0x69: {  	_ =	shalt  }
0x6a: {  	_ =	shalt  }
0x6b: {  	_ =	shalt  }
0x6c: {  	_ =	shalt  }
0x6d: {  	_ =	shalt  }
0x6e: {  	_ =	shalt  }
0x6f: {  	_ =	shalt  }
0x70: {  	_ =	shalt  }
0x71: {  	_ =	shalt  }
0x72: {  	_ =	shalt  }
0x73: {  	_ =	shalt  }
0x74: {  	_ =	shalt  }
0x75: {  	_ =	shalt  }
0x76: {  	_ =	shalt  }
0x77: {  	_ =	shalt  }
0x78: {  	_ =	shalt  }
0x79: {  	_ =	shalt  }
0x7a: {  	_ =	shalt  }
0x7b: {  	_ =	shalt  }
0x7c: {  	_ =	shalt  }
0x7d: {  	_ =	shalt  }
0x7e: {  	_ =	shalt  }
0x7f: {  	_ =	shalt  }
0x80: {  	_ =	shalt  }
0x81: {  	_ =	shalt  }
0x82: {  	_ =	shalt  }
0x83: {  	_ =	shalt  }
0x84: {  	_ =	shalt  }
0x85: {  	_ =	shalt  }
0x86: {  	_ =	shalt  }
0x87: {  	_ =	shalt  }
.Lfunc_end0:
.L_simem_size_0:
called_computation_lowered:
.L_overlay_start_0:
0x88: {  	s2 =	sld [smem:$0x3FD9]  }
0x89: {  	s3 =	sld [smem:$0x3FFE];
	_ =	sdelay $0x1  }
0x8a: {  	s1 =	srdreg.scid  }
0x8b: {  	s0 =	sand.u32 $0x1, s1  }
0x8c: {  	s17 =	sshll.u32 s0, $0xA;
	s2 =	sadd.s32 s3, s2  }
0x8d: {  	s2 =	sadd.s32 s2, s17  }
0x8e: {  	[smem:$0x3FC4] =	sst s2  }
0x8f: {  	_ = 	snop  }
0x90: {  	s2 =	sld [smem:$0x3FC6]  }
0x91: {  	s18 =	sld [smem:$0x3FD0];
	(tm) =	ssettm $0x1  }
0x92: {  	s4 =	sld [smem:$0x3FFB];
	_ =	sdelay $0x3  }
0x93: {  	_ =	strace s4  }
0x94: {  	s4 =	sld [smem:$0x3FFC];
	_ =	sdelay $0x3  }
0x95: {  	_ =	strace s4  }
0x96: {  	s4 =	sld [smem:$0x3FFD];
	_ =	sdelay $0x3  }
0x97: {  	_ =	strace s4  }
0x98: {  	_ =	strace $0x8FFFFFFF  }
0x99: {  	s19 =	sld [smem:$0x3FDB];
	_ =	sdelay $0x1  }
0x9a: {  	s5 =	simm.s32 $_scs_section_size  }
0x9b: {  	s6 =	simm.s32 $_size__tile_overlayer_lowered;
	s7 =	simm.s32 $_tile_overlayer_lowered  }
0x9c: {  	s22 =	simm.s32 $0x1BFF;
	s21 =	sshll.u32 s7, $0x1;
	s4 =	sadd.s32 s5, s19  }
0x9d: {  	s8 =	simm.s32 $0x0;
	s20 =	sshll.u32 s6, $0x1;
	s6 =	sadd.s32 s21, s4  }
0x9e: {  	[timem:s8], [sflag:s22] =	dma.local [hbm:s6], s20  }
0x9f: {  	_ =	swait.ge [sflag:s22], s20  }
0xa0: {  	s5 =	ssub.s32 $0x0, s20;
	[sflag:s22] =	ssyncset.done $0x0  }
0xa1: {  	[sflag:s22] =	ssyncadd.s32 s5;
	_ =	sdelay $0x1  }
0xa2: {  	s23 =	simm.s32 $0x1B8B  }
0xa3: {  	_ =	swait.ge [sflag:s23], $0x1  }
0xa4: {  	[sflag:s23] =	ssyncset.done $0x0  }
0xa5: {  	s25 =	simm.s32 $0x1B8E;
	s24 =	sld [smem:$0x3FFE];
	[sflag:s23] =	ssyncadd.s32 $0xFFFFFFFF  }
0xa6: {  	s26 =	simm.s32 $execute0_lowered;
	[smem:$0x3FD2] =	sst s25  }
0xa7: {  	s6 =	sshll.u32 s26, $0x1;
	_ =	strace $0x80000046;
	[dreg:$0x1] =	wrdreg $0xFFFFFFFF  }
0xa8: {  	s28 =	simm.s32 $_size_execute0_lowered;
	s4 =	sadd.s32 s4, s6;
	[dreg:$0x0] =	wrdreg $0x0  }
0xa9: {  	s6 =	sshll.u32 s28, $0x1;
	[dreg:$0x2] =	wrdreg s4  }
0xaa: {  	[dreg:$0x3] =	wrdreg s6  }
0xab: {  	[dreg:$0x4] =	wrdreg $0xC0  }
0xac: {  	_ =	task [dreg:s8], $0x5FFFF  }
0xad: {  	[dreg:$0x1] =	wrdreg $0xFFFFFFFF  }
0xae: {  	[dreg:$0x0] =	wrdreg $0x60  }
0xaf: {  	[dreg:$0x2] =	wrdreg s24  }
0xb0: {  	[dreg:$0x3] =	wrdreg s2  }
0xb1: {  	[dreg:$0x4] =	wrdreg s18  }
0xb2: {  	[dreg:$0x5] =	wrdreg $0x50800  }
0xb3: {  	[dreg:$0x6] =	wrdreg $0x53000  }
0xb4: {  	[dreg:$0x7] =	wrdreg $0x55800  }
0xb5: {  	[dreg:$0x8] =	wrdreg $0x9  }
0xb6: {  	_ =	task.clear_ibuf [dreg:s8], $0x9FFFF;
	_ =	strace $0x90000046  }
0xb7: {  	s29 =	simm.s32 $0x9;
	_ =	strace $0x80000048  }
0xb8: {  	_ =	swait.ge [sflag:s29], $0x1  }
0xb9: {  	[sflag:s29] =	ssyncadd.s32 $0xFFFFFFFF  }
0xba: {  	_ =	strace $0x90000048  }
0xbb: {  	_ =	sfence  }
0xbc: {  	s30 =	sld [smem:$0x0];
	_ =	sdelay $0x2  }
0xbd: {  	s31 =	sshll.u32 s1, $0xD;
	s1 =	sshrl.u32 s1, $0x2  }
0xbe: {  	s3 =	sand.u32 $0x4000, s31;
	s1 =	sadd.s32 s1, s30  }
0xbf: {  	s0 =	sor.u32 s3, s0;
	s1 =	sshll.u32 s1, $0x11  }
0xc0: {  	s0 =	sor.u32 s1, s0  }
0xc1: {  	s0 =	sadd.s32 $0x8F2B, s0  }
0xc2: {  	[sflag:s0] =	ssyncadd.remote.s32 $0x1  }
0xc3: {  	_ =	sfence.sel $0xFFFF  }
0xc4: {  	[dreg:$0x0] =	wrdreg $0xFFFFFFFF;
	(pc) =	sbr.abs _section_cstart, $3  }
0xc5: {  	[dreg:$0x1] =	wrdreg $0xFFFFFFFF  }
0xc6: {  	_ =	task.clear_ibuf [dreg:s8], $0x2FFFF;
	_ =	strace $0x9FFFFFFF  }
0xc7: {  	(tm) =	ssettm $0x7FFFFFFF  }
tec
execute0_lowered:
.L_overlay_start_1:
0x0: {  	(tag) =	ssettag $0x1  }
0x1: {  	s0 =	rddreg [dreg:$0x0]  }
0x2: {  	s2 =	rddreg [dreg:$0x1]  }
0x3: {  	s11 =	rddreg [dreg:$0x2]  }
0x4: {  	s1 =	rddreg [dreg:$0x3];
	s4 =	srdreg.scid  }
0x5: {  	s10 =	stileid.u32;
	s3 =	rddreg [dreg:$0x4];
	s16 =	simm.s32 $0x2  }
0x6: {  	s28 =	simm.s32 $0x5000;
	s29 =	simm.s32 $0x1;
	s30 =	simm.s32 $0x0  }
0x7: {  	s6 =	sand.u32 $0x1, s4;
	s5 =	sshll.u32 s10, $0x1;
	s4 =	rddreg [dreg:$0x5]  }
0x8: {  	s9 =	smul.u32 $0x280, s10;
	s20 =	sshll.u32 s10, $0x6;
	s7 =	sor.u32 s6, s5  }
0x9: {  	s5 =	simm.s32 $0x0;
	s8 =	ssub.s32 $0x2, s6;
	s19 =	smul.u32 $0x2800, s6  }
0xa: {  	s7 =	smul.u32 $0xA00, s7;
	[smem:$0x7FF] =	sst s5;
	s17 =	sshrl.u32 s8, $0x1  }
0xb: {  	s18 =	sshrl.u32 s9, $0x3;
	s13 =	sadd.s32 s9, s1;
	s21 =	sadd.s32 s9, s3  }
0xc: {  	s14 =	sadd.s32 s9, s4;
	_ =	strace $0x80000047;
	s12 =	ssub.s32 s8, s17  }
0xd: {  	s6 =	sadd.s32 s2, s18;
	s22 =	sadd.s32 s9, s19;
	s17 =	sshrl.u32 s21, $0x3  }
0xe: {  	s18 =	sshrl.u32 s14, $0x3;
	s2 =	simm.s32 $0x4800;
	s14 =	simm.s32 $0x4A00  }
0xf: {  	s19 =	simm.s32 $0x4A80;
	s21 =	simm.s32 $0x4B00;
	s0 =	sadd.s32 s7, s0  }
0x10: {  	s7 =	sor.u32 $0x1C02, s20;
	s15 =	sshrl.u32 s22, $0x3;
	s24 =	smax.u32 s12, $0x1  }
0x11: {  	s20 =	simm.s32 $0x1000;
	s22 =	simm.s32 $0x2000;
	s12 =	simm.s32 $0x4900  }
0x12: {  	s8 =	sadd.s32 $0x800, s0;
	s23 =	sadd.s32 s11, s15;
	[dreg:$0xa] =	wrdreg s24  }
0x13: {  	s9 =	sadd.s32 $0x14800, s0;
	s11 =	sadd.s32 $0xA00, s23;
	[dreg:$0x7] =	wrdreg s23  }
0x14: {  	s10 =	sadd.s32 $0x28800, s0;
	s0 =	sadd.s32 $0x1400, s23;
	[dreg:$0x8] =	wrdreg s11  }
0x15: {  	s15 =	sshrl.u32 s13, $0x3;
	s25 =	sadd.s32 $0x200, s8;
	[dreg:$0x9] =	wrdreg s0  }
0x16: {  	s24 =	simm.s32 $0x3000;
	s26 =	sadd.s32 $0x400, s8;
	[dreg:$0xb] =	wrdreg s25  }
0x17: {  	s13 =	simm.s32 $0x4980;
	s31 =	sadd.s32 $0x600, s8;
	[dreg:$0xc] =	wrdreg s26  }
0x18: {  	s23 =	simm.s32 $0x4B80;
	[dreg:$0xd] =	wrdreg s31;
	s25 =	simm.s32 $0x4000  }
0x19: {  	v0 =	vimm.f32 $1.000000000e+00;
	s26 =	simm.s32 $0x50;
	s0 =	simm.s32 $0x4880;
	s11 =	simm.s32 $0x4C00  }
.LBB2_1:
0x1a: {  	[tilespmem:$0x5000] =	vst v0  }
0x1b: {  	[tilespmem:$0x5010] =	vst v0  }
0x1c: {  	[tilespmem:$0x5020] =	vst v0  }
0x1d: {  	[tilespmem:$0x5030] =	vst v0  }
0x1e: {  	[tilespmem:$0x5040] =	vst v0  }
0x1f: {  	[spmem:s15], [sflag:s7] =	dma.local [hbm:s6], $0x50  }
0x20: {  	_ =	swait.ge [sflag:s16], $0x50  }
0x21: {  	[sflag:s16] =	ssyncset.done $0x0  }
0x22: {  	[sflag:s16] =	ssyncadd.s32 $0xFFFFFFB0  }
0x23: {  	[spmem:s17], [sflag:s7] =	dma.local [hbm:s6], $0x50  }
0x24: {  	_ =	swait.ge [sflag:s16], $0x50  }
0x25: {  	[sflag:s16] =	ssyncset.done $0x0  }
0x26: {  	[sflag:s16] =	ssyncadd.s32 $0xFFFFFFB0  }
0x27: {  	[spmem:s18], [sflag:s7] =	dma.local [hbm:s6], $0x50  }
0x28: {  	_ =	swait.ge [sflag:s16], $0x50  }
0x29: {  	[sflag:s16] =	ssyncset.done $0x0  }
0x2a: {  	[sflag:s16] =	ssyncadd.s32 $0xFFFFFFB0  }
0x2b: {  	[bflag:$0x0] =	sbarrier.arrive $0xFFFF  }
0x2c: {  	[tilespmem:s5], [sflag:$0x2] =	stream.linear.gather [hbm4b:s8+s5], $0xC80, $0x38;
	[tilespmem:$0x5800] =	vst v63  }
0x2d: {  	s31 =	rddreg [dreg:$0xb]  }
0x2e: {  	[tilespmem:s20], [sflag:$0x2] =	stream.linear.gather [hbm4b:s31+s5], $0xC80, $0x38;
	[tilespmem:$0x5800] =	vst v63  }
0x2f: {  	s31 =	rddreg [dreg:$0xc]  }
0x30: {  	[tilespmem:s22], [sflag:$0x2] =	stream.linear.gather [hbm4b:s31+s5], $0xC80, $0x38;
	[tilespmem:$0x5800] =	vst v63  }
0x31: {  	s31 =	rddreg [dreg:$0xd]  }
0x32: {  	[tilespmem:s24], [sflag:$0x2] =	stream.linear.gather [hbm4b:s31+s5], $0xC80, $0x38;
	[tilespmem:$0x5800] =	vst v63  }
0x33: {  	s31 =	sadd.s32 $0x800, s8  }
0x34: {  	[tilespmem:s25], [sflag:$0x2] =	stream.linear.gather [hbm4b:s31+s5], $0xC80, $0x38;
	[tilespmem:$0x5800] =	vst v63  }
0x35: {  	_ =	swait.ge [sflag:s16], $0x3E80  }
0x36: {  	[sflag:s16] =	ssyncset.done $0x0  }
0x37: {  	[sflag:s16] =	ssyncadd.s32 $0xFFFFC180  }
0x38: {  	[spmem:s1] =	stream.indirect.scatter.add.f32 [tilespmem:s28], [sflag:$0x1], $0x1, s5, s26, $0xb8;
	[tilespmem:$0x5800] =	vst v63  }
0x39: {  	s31 =	simm.s32 $0x80  }
0x3a: {  	[spmem:s1] =	stream.indirect.scatter.add.f32 [tilespmem:s28], [sflag:$0x1], $0x1, s31, s26, $0xb8;
	[tilespmem:$0x5800] =	vst v63  }
0x3b: {  	s31 =	simm.s32 $0x100  }
0x3c: {  	[spmem:s1] =	stream.indirect.scatter.add.f32 [tilespmem:s28], [sflag:$0x1], $0x1, s31, s26, $0xb8;
	[tilespmem:$0x5800] =	vst v63  }
0x3d: {  	s31 =	simm.s32 $0x180  }
0x3e: {  	[spmem:s1] =	stream.indirect.scatter.add.f32 [tilespmem:s28], [sflag:$0x1], $0x1, s31, s26, $0xb8;
	[tilespmem:$0x5800] =	vst v63  }
0x3f: {  	s31 =	simm.s32 $0x200  }
0x40: {  	[spmem:s1] =	stream.indirect.scatter.add.f32 [tilespmem:s28], [sflag:$0x1], $0x1, s31, s26, $0xb8;
	[tilespmem:$0x5800] =	vst v63  }
0x41: {  	s31 =	simm.s32 $0x280  }
0x42: {  	[spmem:s1] =	stream.indirect.scatter.add.f32 [tilespmem:s28], [sflag:$0x1], $0x1, s31, s26, $0xb8;
	[tilespmem:$0x5800] =	vst v63  }
0x43: {  	s31 =	simm.s32 $0x300  }
0x44: {  	[spmem:s1] =	stream.indirect.scatter.add.f32 [tilespmem:s28], [sflag:$0x1], $0x1, s31, s26, $0xb8;
	[tilespmem:$0x5800] =	vst v63  }
0x45: {  	s31 =	simm.s32 $0x380  }
0x46: {  	[spmem:s1] =	stream.indirect.scatter.add.f32 [tilespmem:s28], [sflag:$0x1], $0x1, s31, s26, $0xb8;
	[tilespmem:$0x5800] =	vst v63  }
0x47: {  	s31 =	simm.s32 $0x400  }
0x48: {  	[spmem:s1] =	stream.indirect.scatter.add.f32 [tilespmem:s28], [sflag:$0x1], $0x1, s31, s26, $0xb8;
	[tilespmem:$0x5800] =	vst v63  }
0x49: {  	s31 =	simm.s32 $0x480  }
0x4a: {  	[spmem:s1] =	stream.indirect.scatter.add.f32 [tilespmem:s28], [sflag:$0x1], $0x1, s31, s26, $0xb8;
	[tilespmem:$0x5800] =	vst v63  }
0x4b: {  	s31 =	simm.s32 $0x500  }
0x4c: {  	[spmem:s1] =	stream.indirect.scatter.add.f32 [tilespmem:s28], [sflag:$0x1], $0x1, s31, s26, $0xb8;
	[tilespmem:$0x5800] =	vst v63  }
0x4d: {  	s31 =	simm.s32 $0x580  }
0x4e: {  	[spmem:s1] =	stream.indirect.scatter.add.f32 [tilespmem:s28], [sflag:$0x1], $0x1, s31, s26, $0xb8;
	[tilespmem:$0x5800] =	vst v63  }
0x4f: {  	s31 =	simm.s32 $0x600  }
0x50: {  	[spmem:s1] =	stream.indirect.scatter.add.f32 [tilespmem:s28], [sflag:$0x1], $0x1, s31, s26, $0xb8;
	[tilespmem:$0x5800] =	vst v63  }
0x51: {  	s31 =	simm.s32 $0x680  }
0x52: {  	[spmem:s1] =	stream.indirect.scatter.add.f32 [tilespmem:s28], [sflag:$0x1], $0x1, s31, s26, $0xb8;
	[tilespmem:$0x5800] =	vst v63  }
0x53: {  	s31 =	simm.s32 $0x700  }
0x54: {  	[spmem:s1] =	stream.indirect.scatter.add.f32 [tilespmem:s28], [sflag:$0x1], $0x1, s31, s26, $0xb8;
	[tilespmem:$0x5800] =	vst v63  }
0x55: {  	s31 =	simm.s32 $0x780  }
0x56: {  	[spmem:s1] =	stream.indirect.scatter.add.f32 [tilespmem:s28], [sflag:$0x1], $0x1, s31, s26, $0xb8;
	[tilespmem:$0x5800] =	vst v63  }
0x57: {  	s31 =	simm.s32 $0x800  }
0x58: {  	[spmem:s1] =	stream.indirect.scatter.add.f32 [tilespmem:s28], [sflag:$0x1], $0x1, s31, s26, $0xb8;
	[tilespmem:$0x5800] =	vst v63  }
0x59: {  	s31 =	simm.s32 $0x880  }
0x5a: {  	[spmem:s1] =	stream.indirect.scatter.add.f32 [tilespmem:s28], [sflag:$0x1], $0x1, s31, s26, $0xb8;
	[tilespmem:$0x5800] =	vst v63  }
0x5b: {  	s31 =	simm.s32 $0x900  }
0x5c: {  	[spmem:s1] =	stream.indirect.scatter.add.f32 [tilespmem:s28], [sflag:$0x1], $0x1, s31, s26, $0xb8;
	[tilespmem:$0x5800] =	vst v63  }
0x5d: {  	s31 =	simm.s32 $0x980  }
0x5e: {  	[spmem:s1] =	stream.indirect.scatter.add.f32 [tilespmem:s28], [sflag:$0x1], $0x1, s31, s26, $0xb8;
	[tilespmem:$0x5800] =	vst v63  }
0x5f: {  	s31 =	simm.s32 $0xA00  }
0x60: {  	[spmem:s1] =	stream.indirect.scatter.add.f32 [tilespmem:s28], [sflag:$0x1], $0x1, s31, s26, $0xb8;
	[tilespmem:$0x5800] =	vst v63  }
0x61: {  	s31 =	simm.s32 $0xA80  }
0x62: {  	[spmem:s1] =	stream.indirect.scatter.add.f32 [tilespmem:s28], [sflag:$0x1], $0x1, s31, s26, $0xb8;
	[tilespmem:$0x5800] =	vst v63  }
0x63: {  	s31 =	simm.s32 $0xB00  }
0x64: {  	[spmem:s1] =	stream.indirect.scatter.add.f32 [tilespmem:s28], [sflag:$0x1], $0x1, s31, s26, $0xb8;
	[tilespmem:$0x5800] =	vst v63  }
0x65: {  	s31 =	simm.s32 $0xB80  }
0x66: {  	[spmem:s1] =	stream.indirect.scatter.add.f32 [tilespmem:s28], [sflag:$0x1], $0x1, s31, s26, $0xb8;
	[tilespmem:$0x5800] =	vst v63  }
0x67: {  	s31 =	simm.s32 $0xC00  }
0x68: {  	[spmem:s1] =	stream.indirect.scatter.add.f32 [tilespmem:s28], [sflag:$0x1], $0x1, s31, s26, $0xb8;
	[tilespmem:$0x5800] =	vst v63  }
0x69: {  	_ = 	snop  }
0x6a: {  	[spmem:s1] =	stream.indirect.scatter.add.f32 [tilespmem:s28], [sflag:$0x1], $0x1, s20, s26, $0xb8;
	[tilespmem:$0x5800] =	vst v63  }
0x6b: {  	s31 =	simm.s32 $0x1080  }
0x6c: {  	[spmem:s1] =	stream.indirect.scatter.add.f32 [tilespmem:s28], [sflag:$0x1], $0x1, s31, s26, $0xb8;
	[tilespmem:$0x5800] =	vst v63  }
0x6d: {  	s31 =	simm.s32 $0x1100  }
0x6e: {  	[spmem:s1] =	stream.indirect.scatter.add.f32 [tilespmem:s28], [sflag:$0x1], $0x1, s31, s26, $0xb8;
	[tilespmem:$0x5800] =	vst v63  }
0x6f: {  	s31 =	simm.s32 $0x1180  }
0x70: {  	[spmem:s1] =	stream.indirect.scatter.add.f32 [tilespmem:s28], [sflag:$0x1], $0x1, s31, s26, $0xb8;
	[tilespmem:$0x5800] =	vst v63  }
0x71: {  	s31 =	simm.s32 $0x1200  }
0x72: {  	[spmem:s1] =	stream.indirect.scatter.add.f32 [tilespmem:s28], [sflag:$0x1], $0x1, s31, s26, $0xb8;
	[tilespmem:$0x5800] =	vst v63  }
0x73: {  	s31 =	simm.s32 $0x1280  }
0x74: {  	[spmem:s1] =	stream.indirect.scatter.add.f32 [tilespmem:s28], [sflag:$0x1], $0x1, s31, s26, $0xb8;
	[tilespmem:$0x5800] =	vst v63  }
0x75: {  	s31 =	simm.s32 $0x1300  }
0x76: {  	[spmem:s1] =	stream.indirect.scatter.add.f32 [tilespmem:s28], [sflag:$0x1], $0x1, s31, s26, $0xb8;
	[tilespmem:$0x5800] =	vst v63  }
0x77: {  	s31 =	simm.s32 $0x1380  }
0x78: {  	[spmem:s1] =	stream.indirect.scatter.add.f32 [tilespmem:s28], [sflag:$0x1], $0x1, s31, s26, $0xb8;
	[tilespmem:$0x5800] =	vst v63  }
0x79: {  	s31 =	simm.s32 $0x1400  }
0x7a: {  	[spmem:s1] =	stream.indirect.scatter.add.f32 [tilespmem:s28], [sflag:$0x1], $0x1, s31, s26, $0xb8;
	[tilespmem:$0x5800] =	vst v63  }
0x7b: {  	s31 =	simm.s32 $0x1480  }
0x7c: {  	[spmem:s1] =	stream.indirect.scatter.add.f32 [tilespmem:s28], [sflag:$0x1], $0x1, s31, s26, $0xb8;
	[tilespmem:$0x5800] =	vst v63  }
0x7d: {  	s31 =	simm.s32 $0x1500  }
0x7e: {  	[spmem:s1] =	stream.indirect.scatter.add.f32 [tilespmem:s28], [sflag:$0x1], $0x1, s31, s26, $0xb8;
	[tilespmem:$0x5800] =	vst v63  }
0x7f: {  	s31 =	simm.s32 $0x1580  }
0x80: {  	[spmem:s1] =	stream.indirect.scatter.add.f32 [tilespmem:s28], [sflag:$0x1], $0x1, s31, s26, $0xb8;
	[tilespmem:$0x5800] =	vst v63  }
0x81: {  	s31 =	simm.s32 $0x1600  }
0x82: {  	[spmem:s1] =	stream.indirect.scatter.add.f32 [tilespmem:s28], [sflag:$0x1], $0x1, s31, s26, $0xb8;
	[tilespmem:$0x5800] =	vst v63  }
0x83: {  	s31 =	simm.s32 $0x1680  }
0x84: {  	[spmem:s1] =	stream.indirect.scatter.add.f32 [tilespmem:s28], [sflag:$0x1], $0x1, s31, s26, $0xb8;
	[tilespmem:$0x5800] =	vst v63  }
0x85: {  	s31 =	simm.s32 $0x1700  }
0x86: {  	[spmem:s1] =	stream.indirect.scatter.add.f32 [tilespmem:s28], [sflag:$0x1], $0x1, s31, s26, $0xb8;
	[tilespmem:$0x5800] =	vst v63  }
0x87: {  	s31 =	simm.s32 $0x1780  }
0x88: {  	[spmem:s1] =	stream.indirect.scatter.add.f32 [tilespmem:s28], [sflag:$0x1], $0x1, s31, s26, $0xb8;
	[tilespmem:$0x5800] =	vst v63  }
0x89: {  	s31 =	simm.s32 $0x1800  }
0x8a: {  	[spmem:s1] =	stream.indirect.scatter.add.f32 [tilespmem:s28], [sflag:$0x1], $0x1, s31, s26, $0xb8;
	[tilespmem:$0x5800] =	vst v63  }
0x8b: {  	s31 =	simm.s32 $0x1880  }
0x8c: {  	[spmem:s1] =	stream.indirect.scatter.add.f32 [tilespmem:s28], [sflag:$0x1], $0x1, s31, s26, $0xb8;
	[tilespmem:$0x5800] =	vst v63  }
0x8d: {  	s31 =	simm.s32 $0x1900  }
0x8e: {  	[spmem:s1] =	stream.indirect.scatter.add.f32 [tilespmem:s28], [sflag:$0x1], $0x1, s31, s26, $0xb8;
	[tilespmem:$0x5800] =	vst v63  }
0x8f: {  	s31 =	simm.s32 $0x1980  }
0x90: {  	[spmem:s1] =	stream.indirect.scatter.add.f32 [tilespmem:s28], [sflag:$0x1], $0x1, s31, s26, $0xb8;
	[tilespmem:$0x5800] =	vst v63  }
0x91: {  	s31 =	simm.s32 $0x1A00  }
0x92: {  	[spmem:s1] =	stream.indirect.scatter.add.f32 [tilespmem:s28], [sflag:$0x1], $0x1, s31, s26, $0xb8;
	[tilespmem:$0x5800] =	vst v63  }
0x93: {  	s31 =	simm.s32 $0x1A80  }
0x94: {  	[spmem:s1] =	stream.indirect.scatter.add.f32 [tilespmem:s28], [sflag:$0x1], $0x1, s31, s26, $0xb8;
	[tilespmem:$0x5800] =	vst v63  }
0x95: {  	s31 =	simm.s32 $0x1B00  }
0x96: {  	[spmem:s1] =	stream.indirect.scatter.add.f32 [tilespmem:s28], [sflag:$0x1], $0x1, s31, s26, $0xb8;
	[tilespmem:$0x5800] =	vst v63  }
0x97: {  	s31 =	simm.s32 $0x1B80  }
0x98: {  	[spmem:s1] =	stream.indirect.scatter.add.f32 [tilespmem:s28], [sflag:$0x1], $0x1, s31, s26, $0xb8;
	[tilespmem:$0x5800] =	vst v63  }
0x99: {  	s31 =	simm.s32 $0x1C00  }
0x9a: {  	[spmem:s1] =	stream.indirect.scatter.add.f32 [tilespmem:s28], [sflag:$0x1], $0x1, s31, s26, $0xb8;
	[tilespmem:$0x5800] =	vst v63  }
0x9b: {  	_ = 	snop  }
0x9c: {  	[spmem:s1] =	stream.indirect.scatter.add.f32 [tilespmem:s28], [sflag:$0x1], $0x1, s22, s26, $0xb8;
	[tilespmem:$0x5800] =	vst v63  }
0x9d: {  	s31 =	simm.s32 $0x2080  }
0x9e: {  	[spmem:s1] =	stream.indirect.scatter.add.f32 [tilespmem:s28], [sflag:$0x1], $0x1, s31, s26, $0xb8;
	[tilespmem:$0x5800] =	vst v63  }
0x9f: {  	s31 =	simm.s32 $0x2100  }
0xa0: {  	[spmem:s1] =	stream.indirect.scatter.add.f32 [tilespmem:s28], [sflag:$0x1], $0x1, s31, s26, $0xb8;
	[tilespmem:$0x5800] =	vst v63  }
0xa1: {  	s31 =	simm.s32 $0x2180  }
0xa2: {  	[spmem:s1] =	stream.indirect.scatter.add.f32 [tilespmem:s28], [sflag:$0x1], $0x1, s31, s26, $0xb8;
	[tilespmem:$0x5800] =	vst v63  }
0xa3: {  	s31 =	simm.s32 $0x2200  }
0xa4: {  	[spmem:s1] =	stream.indirect.scatter.add.f32 [tilespmem:s28], [sflag:$0x1], $0x1, s31, s26, $0xb8;
	[tilespmem:$0x5800] =	vst v63  }
0xa5: {  	s31 =	simm.s32 $0x2280  }
0xa6: {  	[spmem:s1] =	stream.indirect.scatter.add.f32 [tilespmem:s28], [sflag:$0x1], $0x1, s31, s26, $0xb8;
	[tilespmem:$0x5800] =	vst v63  }
0xa7: {  	s31 =	simm.s32 $0x2300  }
0xa8: {  	[spmem:s1] =	stream.indirect.scatter.add.f32 [tilespmem:s28], [sflag:$0x1], $0x1, s31, s26, $0xb8;
	[tilespmem:$0x5800] =	vst v63  }
0xa9: {  	s31 =	simm.s32 $0x2380  }
0xaa: {  	[spmem:s1] =	stream.indirect.scatter.add.f32 [tilespmem:s28], [sflag:$0x1], $0x1, s31, s26, $0xb8;
	[tilespmem:$0x5800] =	vst v63  }
0xab: {  	s31 =	simm.s32 $0x2400  }
0xac: {  	[spmem:s1] =	stream.indirect.scatter.add.f32 [tilespmem:s28], [sflag:$0x1], $0x1, s31, s26, $0xb8;
	[tilespmem:$0x5800] =	vst v63  }
0xad: {  	s31 =	simm.s32 $0x2480  }
0xae: {  	[spmem:s1] =	stream.indirect.scatter.add.f32 [tilespmem:s28], [sflag:$0x1], $0x1, s31, s26, $0xb8;
	[tilespmem:$0x5800] =	vst v63  }
0xaf: {  	s31 =	simm.s32 $0x2500  }
0xb0: {  	[spmem:s1] =	stream.indirect.scatter.add.f32 [tilespmem:s28], [sflag:$0x1], $0x1, s31, s26, $0xb8;
	[tilespmem:$0x5800] =	vst v63  }
0xb1: {  	s31 =	simm.s32 $0x2580  }
0xb2: {  	[spmem:s1] =	stream.indirect.scatter.add.f32 [tilespmem:s28], [sflag:$0x1], $0x1, s31, s26, $0xb8;
	[tilespmem:$0x5800] =	vst v63  }
0xb3: {  	s31 =	simm.s32 $0x2600  }
0xb4: {  	[spmem:s1] =	stream.indirect.scatter.add.f32 [tilespmem:s28], [sflag:$0x1], $0x1, s31, s26, $0xb8;
	[tilespmem:$0x5800] =	vst v63  }
0xb5: {  	s31 =	simm.s32 $0x2680  }
0xb6: {  	[spmem:s1] =	stream.indirect.scatter.add.f32 [tilespmem:s28], [sflag:$0x1], $0x1, s31, s26, $0xb8;
	[tilespmem:$0x5800] =	vst v63  }
0xb7: {  	s31 =	simm.s32 $0x2700  }
0xb8: {  	[spmem:s1] =	stream.indirect.scatter.add.f32 [tilespmem:s28], [sflag:$0x1], $0x1, s31, s26, $0xb8;
	[tilespmem:$0x5800] =	vst v63  }
0xb9: {  	s31 =	simm.s32 $0x2780  }
0xba: {  	[spmem:s1] =	stream.indirect.scatter.add.f32 [tilespmem:s28], [sflag:$0x1], $0x1, s31, s26, $0xb8;
	[tilespmem:$0x5800] =	vst v63  }
0xbb: {  	s31 =	simm.s32 $0x2800  }
0xbc: {  	[spmem:s1] =	stream.indirect.scatter.add.f32 [tilespmem:s28], [sflag:$0x1], $0x1, s31, s26, $0xb8;
	[tilespmem:$0x5800] =	vst v63  }
0xbd: {  	s31 =	simm.s32 $0x2880  }
0xbe: {  	[spmem:s1] =	stream.indirect.scatter.add.f32 [tilespmem:s28], [sflag:$0x1], $0x1, s31, s26, $0xb8;
	[tilespmem:$0x5800] =	vst v63  }
0xbf: {  	s31 =	simm.s32 $0x2900  }
0xc0: {  	[spmem:s1] =	stream.indirect.scatter.add.f32 [tilespmem:s28], [sflag:$0x1], $0x1, s31, s26, $0xb8;
	[tilespmem:$0x5800] =	vst v63  }
0xc1: {  	s31 =	simm.s32 $0x2980  }
0xc2: {  	[spmem:s1] =	stream.indirect.scatter.add.f32 [tilespmem:s28], [sflag:$0x1], $0x1, s31, s26, $0xb8;
	[tilespmem:$0x5800] =	vst v63  }
0xc3: {  	s31 =	simm.s32 $0x2A00  }
0xc4: {  	[spmem:s1] =	stream.indirect.scatter.add.f32 [tilespmem:s28], [sflag:$0x1], $0x1, s31, s26, $0xb8;
	[tilespmem:$0x5800] =	vst v63  }
0xc5: {  	s31 =	simm.s32 $0x2A80  }
0xc6: {  	[spmem:s1] =	stream.indirect.scatter.add.f32 [tilespmem:s28], [sflag:$0x1], $0x1, s31, s26, $0xb8;
	[tilespmem:$0x5800] =	vst v63  }
0xc7: {  	s31 =	simm.s32 $0x2B00  }
0xc8: {  	[spmem:s1] =	stream.indirect.scatter.add.f32 [tilespmem:s28], [sflag:$0x1], $0x1, s31, s26, $0xb8;
	[tilespmem:$0x5800] =	vst v63  }
0xc9: {  	s31 =	simm.s32 $0x2B80  }
0xca: {  	[spmem:s1] =	stream.indirect.scatter.add.f32 [tilespmem:s28], [sflag:$0x1], $0x1, s31, s26, $0xb8;
	[tilespmem:$0x5800] =	vst v63  }
0xcb: {  	s31 =	simm.s32 $0x2C00  }
0xcc: {  	[spmem:s1] =	stream.indirect.scatter.add.f32 [tilespmem:s28], [sflag:$0x1], $0x1, s31, s26, $0xb8;
	[tilespmem:$0x5800] =	vst v63  }
0xcd: {  	_ = 	snop  }
0xce: {  	[spmem:s1] =	stream.indirect.scatter.add.f32 [tilespmem:s28], [sflag:$0x1], $0x1, s24, s26, $0xb8;
	[tilespmem:$0x5800] =	vst v63  }
0xcf: {  	s31 =	simm.s32 $0x3080  }
0xd0: {  	[spmem:s1] =	stream.indirect.scatter.add.f32 [tilespmem:s28], [sflag:$0x1], $0x1, s31, s26, $0xb8;
	[tilespmem:$0x5800] =	vst v63  }
0xd1: {  	s31 =	simm.s32 $0x3100  }
0xd2: {  	[spmem:s1] =	stream.indirect.scatter.add.f32 [tilespmem:s28], [sflag:$0x1], $0x1, s31, s26, $0xb8;
	[tilespmem:$0x5800] =	vst v63  }
0xd3: {  	s31 =	simm.s32 $0x3180  }
0xd4: {  	[spmem:s1] =	stream.indirect.scatter.add.f32 [tilespmem:s28], [sflag:$0x1], $0x1, s31, s26, $0xb8;
	[tilespmem:$0x5800] =	vst v63  }
0xd5: {  	s31 =	simm.s32 $0x3200  }
0xd6: {  	[spmem:s1] =	stream.indirect.scatter.add.f32 [tilespmem:s28], [sflag:$0x1], $0x1, s31, s26, $0xb8;
	[tilespmem:$0x5800] =	vst v63  }
0xd7: {  	s31 =	simm.s32 $0x3280  }
0xd8: {  	[spmem:s1] =	stream.indirect.scatter.add.f32 [tilespmem:s28], [sflag:$0x1], $0x1, s31, s26, $0xb8;
	[tilespmem:$0x5800] =	vst v63  }
0xd9: {  	s31 =	simm.s32 $0x3300  }
0xda: {  	[spmem:s1] =	stream.indirect.scatter.add.f32 [tilespmem:s28], [sflag:$0x1], $0x1, s31, s26, $0xb8;
	[tilespmem:$0x5800] =	vst v63  }
0xdb: {  	s31 =	simm.s32 $0x3380  }
0xdc: {  	[spmem:s1] =	stream.indirect.scatter.add.f32 [tilespmem:s28], [sflag:$0x1], $0x1, s31, s26, $0xb8;
	[tilespmem:$0x5800] =	vst v63  }
0xdd: {  	s31 =	simm.s32 $0x3400  }
0xde: {  	[spmem:s1] =	stream.indirect.scatter.add.f32 [tilespmem:s28], [sflag:$0x1], $0x1, s31, s26, $0xb8;
	[tilespmem:$0x5800] =	vst v63  }
0xdf: {  	s31 =	simm.s32 $0x3480  }
0xe0: {  	[spmem:s1] =	stream.indirect.scatter.add.f32 [tilespmem:s28], [sflag:$0x1], $0x1, s31, s26, $0xb8;
	[tilespmem:$0x5800] =	vst v63  }
0xe1: {  	s31 =	simm.s32 $0x3500  }
0xe2: {  	[spmem:s1] =	stream.indirect.scatter.add.f32 [tilespmem:s28], [sflag:$0x1], $0x1, s31, s26, $0xb8;
	[tilespmem:$0x5800] =	vst v63  }
0xe3: {  	s31 =	simm.s32 $0x3580  }
0xe4: {  	[spmem:s1] =	stream.indirect.scatter.add.f32 [tilespmem:s28], [sflag:$0x1], $0x1, s31, s26, $0xb8;
	[tilespmem:$0x5800] =	vst v63  }
0xe5: {  	s31 =	simm.s32 $0x3600  }
0xe6: {  	[spmem:s1] =	stream.indirect.scatter.add.f32 [tilespmem:s28], [sflag:$0x1], $0x1, s31, s26, $0xb8;
	[tilespmem:$0x5800] =	vst v63  }
0xe7: {  	s31 =	simm.s32 $0x3680  }
0xe8: {  	[spmem:s1] =	stream.indirect.scatter.add.f32 [tilespmem:s28], [sflag:$0x1], $0x1, s31, s26, $0xb8;
	[tilespmem:$0x5800] =	vst v63  }
0xe9: {  	s31 =	simm.s32 $0x3700  }
0xea: {  	[spmem:s1] =	stream.indirect.scatter.add.f32 [tilespmem:s28], [sflag:$0x1], $0x1, s31, s26, $0xb8;
	[tilespmem:$0x5800] =	vst v63  }
0xeb: {  	s31 =	simm.s32 $0x3780  }
0xec: {  	[spmem:s1] =	stream.indirect.scatter.add.f32 [tilespmem:s28], [sflag:$0x1], $0x1, s31, s26, $0xb8;
	[tilespmem:$0x5800] =	vst v63  }
0xed: {  	s31 =	simm.s32 $0x3800  }
0xee: {  	[spmem:s1] =	stream.indirect.scatter.add.f32 [tilespmem:s28], [sflag:$0x1], $0x1, s31, s26, $0xb8;
	[tilespmem:$0x5800] =	vst v63  }
0xef: {  	s31 =	simm.s32 $0x3880  }
0xf0: {  	[spmem:s1] =	stream.indirect.scatter.add.f32 [tilespmem:s28], [sflag:$0x1], $0x1, s31, s26, $0xb8;
	[tilespmem:$0x5800] =	vst v63  }
0xf1: {  	s31 =	simm.s32 $0x3900  }
0xf2: {  	[spmem:s1] =	stream.indirect.scatter.add.f32 [tilespmem:s28], [sflag:$0x1], $0x1, s31, s26, $0xb8;
	[tilespmem:$0x5800] =	vst v63  }
0xf3: {  	s31 =	simm.s32 $0x3980  }
0xf4: {  	[spmem:s1] =	stream.indirect.scatter.add.f32 [tilespmem:s28], [sflag:$0x1], $0x1, s31, s26, $0xb8;
	[tilespmem:$0x5800] =	vst v63  }
0xf5: {  	s31 =	simm.s32 $0x3A00  }
0xf6: {  	[spmem:s1] =	stream.indirect.scatter.add.f32 [tilespmem:s28], [sflag:$0x1], $0x1, s31, s26, $0xb8;
	[tilespmem:$0x5800] =	vst v63  }
0xf7: {  	s31 =	simm.s32 $0x3A80  }
0xf8: {  	[spmem:s1] =	stream.indirect.scatter.add.f32 [tilespmem:s28], [sflag:$0x1], $0x1, s31, s26, $0xb8;
	[tilespmem:$0x5800] =	vst v63  }
0xf9: {  	s31 =	simm.s32 $0x3B00  }
0xfa: {  	[spmem:s1] =	stream.indirect.scatter.add.f32 [tilespmem:s28], [sflag:$0x1], $0x1, s31, s26, $0xb8;
	[tilespmem:$0x5800] =	vst v63  }
0xfb: {  	s31 =	simm.s32 $0x3B80  }
0xfc: {  	[spmem:s1] =	stream.indirect.scatter.add.f32 [tilespmem:s28], [sflag:$0x1], $0x1, s31, s26, $0xb8;
	[tilespmem:$0x5800] =	vst v63  }
0xfd: {  	s31 =	simm.s32 $0x3C00  }
0xfe: {  	[spmem:s1] =	stream.indirect.scatter.add.f32 [tilespmem:s28], [sflag:$0x1], $0x1, s31, s26, $0xb8;
	[tilespmem:$0x5800] =	vst v63  }
0xff: {  	_ = 	snop  }
0x100: {  	[spmem:s1] =	stream.indirect.scatter.add.f32 [tilespmem:s28], [sflag:$0x1], $0x1, s25, s26, $0xb8;
	[tilespmem:$0x5800] =	vst v63  }
0x101: {  	s31 =	simm.s32 $0x4080  }
0x102: {  	[spmem:s1] =	stream.indirect.scatter.add.f32 [tilespmem:s28], [sflag:$0x1], $0x1, s31, s26, $0xb8;
	[tilespmem:$0x5800] =	vst v63  }
0x103: {  	s31 =	simm.s32 $0x4100  }
0x104: {  	[spmem:s1] =	stream.indirect.scatter.add.f32 [tilespmem:s28], [sflag:$0x1], $0x1, s31, s26, $0xb8;
	[tilespmem:$0x5800] =	vst v63  }
0x105: {  	s31 =	simm.s32 $0x4180  }
0x106: {  	[spmem:s1] =	stream.indirect.scatter.add.f32 [tilespmem:s28], [sflag:$0x1], $0x1, s31, s26, $0xb8;
	[tilespmem:$0x5800] =	vst v63  }
0x107: {  	s31 =	simm.s32 $0x4200  }
0x108: {  	[spmem:s1] =	stream.indirect.scatter.add.f32 [tilespmem:s28], [sflag:$0x1], $0x1, s31, s26, $0xb8;
	[tilespmem:$0x5800] =	vst v63  }
0x109: {  	s31 =	simm.s32 $0x4280  }
0x10a: {  	[spmem:s1] =	stream.indirect.scatter.add.f32 [tilespmem:s28], [sflag:$0x1], $0x1, s31, s26, $0xb8;
	[tilespmem:$0x5800] =	vst v63  }
0x10b: {  	s31 =	simm.s32 $0x4300  }
0x10c: {  	[spmem:s1] =	stream.indirect.scatter.add.f32 [tilespmem:s28], [sflag:$0x1], $0x1, s31, s26, $0xb8;
	[tilespmem:$0x5800] =	vst v63  }
0x10d: {  	s31 =	simm.s32 $0x4380  }
0x10e: {  	[spmem:s1] =	stream.indirect.scatter.add.f32 [tilespmem:s28], [sflag:$0x1], $0x1, s31, s26, $0xb8;
	[tilespmem:$0x5800] =	vst v63  }
0x10f: {  	s31 =	simm.s32 $0x4400  }
0x110: {  	[spmem:s1] =	stream.indirect.scatter.add.f32 [tilespmem:s28], [sflag:$0x1], $0x1, s31, s26, $0xb8;
	[tilespmem:$0x5800] =	vst v63  }
0x111: {  	s31 =	simm.s32 $0x4480  }
0x112: {  	[spmem:s1] =	stream.indirect.scatter.add.f32 [tilespmem:s28], [sflag:$0x1], $0x1, s31, s26, $0xb8;
	[tilespmem:$0x5800] =	vst v63  }
0x113: {  	s31 =	simm.s32 $0x4500  }
0x114: {  	[spmem:s1] =	stream.indirect.scatter.add.f32 [tilespmem:s28], [sflag:$0x1], $0x1, s31, s26, $0xb8;
	[tilespmem:$0x5800] =	vst v63  }
0x115: {  	s31 =	simm.s32 $0x4580  }
0x116: {  	[spmem:s1] =	stream.indirect.scatter.add.f32 [tilespmem:s28], [sflag:$0x1], $0x1, s31, s26, $0xb8;
	[tilespmem:$0x5800] =	vst v63  }
0x117: {  	s31 =	simm.s32 $0x4600  }
0x118: {  	[spmem:s1] =	stream.indirect.scatter.add.f32 [tilespmem:s28], [sflag:$0x1], $0x1, s31, s26, $0xb8;
	[tilespmem:$0x5800] =	vst v63  }
0x119: {  	s31 =	simm.s32 $0x4680  }
0x11a: {  	[spmem:s1] =	stream.indirect.scatter.add.f32 [tilespmem:s28], [sflag:$0x1], $0x1, s31, s26, $0xb8;
	[tilespmem:$0x5800] =	vst v63  }
0x11b: {  	s31 =	simm.s32 $0x4700  }
0x11c: {  	[spmem:s1] =	stream.indirect.scatter.add.f32 [tilespmem:s28], [sflag:$0x1], $0x1, s31, s26, $0xb8;
	[tilespmem:$0x5800] =	vst v63  }
0x11d: {  	s31 =	simm.s32 $0x4780  }
0x11e: {  	[spmem:s1] =	stream.indirect.scatter.add.f32 [tilespmem:s28], [sflag:$0x1], $0x1, s31, s26, $0xb8;
	[tilespmem:$0x5800] =	vst v63  }
0x11f: {  	_ = 	snop  }
0x120: {  	[spmem:s1] =	stream.indirect.scatter.add.f32 [tilespmem:s28], [sflag:$0x1], $0x1, s2, s26, $0xb8;
	[tilespmem:$0x5800] =	vst v63  }
0x121: {  	_ = 	snop  }
0x122: {  	[spmem:s1] =	stream.indirect.scatter.add.f32 [tilespmem:s28], [sflag:$0x1], $0x1, s0, s26, $0xb8;
	[tilespmem:$0x5800] =	vst v63  }
0x123: {  	_ = 	snop  }
0x124: {  	[spmem:s1] =	stream.indirect.scatter.add.f32 [tilespmem:s28], [sflag:$0x1], $0x1, s12, s26, $0xb8;
	[tilespmem:$0x5800] =	vst v63  }
0x125: {  	_ = 	snop  }
0x126: {  	[spmem:s1] =	stream.indirect.scatter.add.f32 [tilespmem:s28], [sflag:$0x1], $0x1, s13, s26, $0xb8;
	[tilespmem:$0x5800] =	vst v63  }
0x127: {  	_ = 	snop  }
0x128: {  	[spmem:s1] =	stream.indirect.scatter.add.f32 [tilespmem:s28], [sflag:$0x1], $0x1, s14, s26, $0xb8;
	[tilespmem:$0x5800] =	vst v63  }
0x129: {  	_ = 	snop  }
0x12a: {  	[spmem:s1] =	stream.indirect.scatter.add.f32 [tilespmem:s28], [sflag:$0x1], $0x1, s19, s26, $0xb8;
	[tilespmem:$0x5800] =	vst v63  }
0x12b: {  	_ = 	snop  }
0x12c: {  	[spmem:s1] =	stream.indirect.scatter.add.f32 [tilespmem:s28], [sflag:$0x1], $0x1, s21, s26, $0xb8;
	[tilespmem:$0x5800] =	vst v63  }
0x12d: {  	_ = 	snop  }
0x12e: {  	[spmem:s1] =	stream.indirect.scatter.add.f32 [tilespmem:s28], [sflag:$0x1], $0x1, s23, s26, $0xb8;
	[tilespmem:$0x5800] =	vst v63  }
0x12f: {  	_ = 	snop  }
0x130: {  	[spmem:s1] =	stream.indirect.scatter.add.f32 [tilespmem:s28], [sflag:$0x1], $0x1, s11, s26, $0xb8;
	[tilespmem:$0x5800] =	vst v63  }
0x131: {  	_ =	swait.ge [sflag:s29], $0x50  }
0x132: {  	s31 =	simm.s32 $0x7C;
	[sflag:s29] =	ssyncset.done $0x0  }
.LBB2_2:
0x133: {  	p0 =	sne.s32 s31, $0x1;
	s31 =	sadd.s32 $0xFFFFFFFF, s31;
	[sflag:s29] =	ssyncadd.s32 $0xFFFFFFB0  }
.Ltmp0:
0x134: {  	(pc) =	sbr.rel @p0 .LBB2_2-.Ltmp0, $3  }
0x135: {  	_ =	sdelay $0x1  }
0x136: {  	_ =	swait.ge [sflag:s29], $0x50  }
0x137: {  	[sflag:s29] =	ssyncset.done $0x0  }
0x138: {  	[sflag:s29] =	ssyncadd.s32 $0xFFFFFFB0  }
0x139: {  	[tilespmem:s5], [sflag:$0x2] =	stream.linear.gather [hbm4b:s9+s5], $0xC80, $0x38;
	[tilespmem:$0x5800] =	vst v63  }
0x13a: {  	s31 =	sadd.s32 $0x200, s9  }
0x13b: {  	[tilespmem:s20], [sflag:$0x2] =	stream.linear.gather [hbm4b:s31+s5], $0xC80, $0x38;
	[tilespmem:$0x5800] =	vst v63  }
0x13c: {  	s31 =	sadd.s32 $0x400, s9  }
0x13d: {  	[tilespmem:s22], [sflag:$0x2] =	stream.linear.gather [hbm4b:s31+s5], $0xC80, $0x38;
	[tilespmem:$0x5800] =	vst v63  }
0x13e: {  	s31 =	sadd.s32 $0x600, s9  }
0x13f: {  	[tilespmem:s24], [sflag:$0x2] =	stream.linear.gather [hbm4b:s31+s5], $0xC80, $0x38;
	[tilespmem:$0x5800] =	vst v63  }
0x140: {  	s31 =	sadd.s32 $0x800, s9  }
0x141: {  	[tilespmem:s25], [sflag:$0x2] =	stream.linear.gather [hbm4b:s31+s5], $0xC80, $0x38;
	[tilespmem:$0x5800] =	vst v63  }
0x142: {  	_ =	swait.ge [sflag:s16], $0x3E80  }
0x143: {  	[sflag:s16] =	ssyncset.done $0x0  }
0x144: {  	[sflag:s16] =	ssyncadd.s32 $0xFFFFC180  }
0x145: {  	[spmem:s3] =	stream.indirect.scatter.add.f32 [tilespmem:s28], [sflag:$0x1], $0x1, s5, s26, $0xb8;
	[tilespmem:$0x5800] =	vst v63  }
0x146: {  	s31 =	simm.s32 $0x80  }
0x147: {  	[spmem:s3] =	stream.indirect.scatter.add.f32 [tilespmem:s28], [sflag:$0x1], $0x1, s31, s26, $0xb8;
	[tilespmem:$0x5800] =	vst v63  }
0x148: {  	s31 =	simm.s32 $0x100  }
0x149: {  	[spmem:s3] =	stream.indirect.scatter.add.f32 [tilespmem:s28], [sflag:$0x1], $0x1, s31, s26, $0xb8;
	[tilespmem:$0x5800] =	vst v63  }
0x14a: {  	s31 =	simm.s32 $0x180  }
0x14b: {  	[spmem:s3] =	stream.indirect.scatter.add.f32 [tilespmem:s28], [sflag:$0x1], $0x1, s31, s26, $0xb8;
	[tilespmem:$0x5800] =	vst v63  }
0x14c: {  	s31 =	simm.s32 $0x200  }
0x14d: {  	[spmem:s3] =	stream.indirect.scatter.add.f32 [tilespmem:s28], [sflag:$0x1], $0x1, s31, s26, $0xb8;
	[tilespmem:$0x5800] =	vst v63  }
0x14e: {  	s31 =	simm.s32 $0x280  }
0x14f: {  	[spmem:s3] =	stream.indirect.scatter.add.f32 [tilespmem:s28], [sflag:$0x1], $0x1, s31, s26, $0xb8;
	[tilespmem:$0x5800] =	vst v63  }
0x150: {  	s31 =	simm.s32 $0x300  }
0x151: {  	[spmem:s3] =	stream.indirect.scatter.add.f32 [tilespmem:s28], [sflag:$0x1], $0x1, s31, s26, $0xb8;
	[tilespmem:$0x5800] =	vst v63  }
0x152: {  	s31 =	simm.s32 $0x380  }
0x153: {  	[spmem:s3] =	stream.indirect.scatter.add.f32 [tilespmem:s28], [sflag:$0x1], $0x1, s31, s26, $0xb8;
	[tilespmem:$0x5800] =	vst v63  }
0x154: {  	s31 =	simm.s32 $0x400  }
0x155: {  	[spmem:s3] =	stream.indirect.scatter.add.f32 [tilespmem:s28], [sflag:$0x1], $0x1, s31, s26, $0xb8;
	[tilespmem:$0x5800] =	vst v63  }
0x156: {  	s31 =	simm.s32 $0x480  }
0x157: {  	[spmem:s3] =	stream.indirect.scatter.add.f32 [tilespmem:s28], [sflag:$0x1], $0x1, s31, s26, $0xb8;
	[tilespmem:$0x5800] =	vst v63  }
0x158: {  	s31 =	simm.s32 $0x500  }
0x159: {  	[spmem:s3] =	stream.indirect.scatter.add.f32 [tilespmem:s28], [sflag:$0x1], $0x1, s31, s26, $0xb8;
	[tilespmem:$0x5800] =	vst v63  }
0x15a: {  	s31 =	simm.s32 $0x580  }
0x15b: {  	[spmem:s3] =	stream.indirect.scatter.add.f32 [tilespmem:s28], [sflag:$0x1], $0x1, s31, s26, $0xb8;
	[tilespmem:$0x5800] =	vst v63  }
0x15c: {  	s31 =	simm.s32 $0x600  }
0x15d: {  	[spmem:s3] =	stream.indirect.scatter.add.f32 [tilespmem:s28], [sflag:$0x1], $0x1, s31, s26, $0xb8;
	[tilespmem:$0x5800] =	vst v63  }
0x15e: {  	s31 =	simm.s32 $0x680  }
0x15f: {  	[spmem:s3] =	stream.indirect.scatter.add.f32 [tilespmem:s28], [sflag:$0x1], $0x1, s31, s26, $0xb8;
	[tilespmem:$0x5800] =	vst v63  }
0x160: {  	s31 =	simm.s32 $0x700  }
0x161: {  	[spmem:s3] =	stream.indirect.scatter.add.f32 [tilespmem:s28], [sflag:$0x1], $0x1, s31, s26, $0xb8;
	[tilespmem:$0x5800] =	vst v63  }
0x162: {  	s31 =	simm.s32 $0x780  }
0x163: {  	[spmem:s3] =	stream.indirect.scatter.add.f32 [tilespmem:s28], [sflag:$0x1], $0x1, s31, s26, $0xb8;
	[tilespmem:$0x5800] =	vst v63  }
0x164: {  	s31 =	simm.s32 $0x800  }
0x165: {  	[spmem:s3] =	stream.indirect.scatter.add.f32 [tilespmem:s28], [sflag:$0x1], $0x1, s31, s26, $0xb8;
	[tilespmem:$0x5800] =	vst v63  }
0x166: {  	s31 =	simm.s32 $0x880  }
0x167: {  	[spmem:s3] =	stream.indirect.scatter.add.f32 [tilespmem:s28], [sflag:$0x1], $0x1, s31, s26, $0xb8;
	[tilespmem:$0x5800] =	vst v63  }
0x168: {  	s31 =	simm.s32 $0x900  }
0x169: {  	[spmem:s3] =	stream.indirect.scatter.add.f32 [tilespmem:s28], [sflag:$0x1], $0x1, s31, s26, $0xb8;
	[tilespmem:$0x5800] =	vst v63  }
0x16a: {  	s31 =	simm.s32 $0x980  }
0x16b: {  	[spmem:s3] =	stream.indirect.scatter.add.f32 [tilespmem:s28], [sflag:$0x1], $0x1, s31, s26, $0xb8;
	[tilespmem:$0x5800] =	vst v63  }
0x16c: {  	s31 =	simm.s32 $0xA00  }
0x16d: {  	[spmem:s3] =	stream.indirect.scatter.add.f32 [tilespmem:s28], [sflag:$0x1], $0x1, s31, s26, $0xb8;
	[tilespmem:$0x5800] =	vst v63  }
0x16e: {  	s31 =	simm.s32 $0xA80  }
0x16f: {  	[spmem:s3] =	stream.indirect.scatter.add.f32 [tilespmem:s28], [sflag:$0x1], $0x1, s31, s26, $0xb8;
	[tilespmem:$0x5800] =	vst v63  }
0x170: {  	s31 =	simm.s32 $0xB00  }
0x171: {  	[spmem:s3] =	stream.indirect.scatter.add.f32 [tilespmem:s28], [sflag:$0x1], $0x1, s31, s26, $0xb8;
	[tilespmem:$0x5800] =	vst v63  }
0x172: {  	s31 =	simm.s32 $0xB80  }
0x173: {  	[spmem:s3] =	stream.indirect.scatter.add.f32 [tilespmem:s28], [sflag:$0x1], $0x1, s31, s26, $0xb8;
	[tilespmem:$0x5800] =	vst v63  }
0x174: {  	s31 =	simm.s32 $0xC00  }
0x175: {  	[spmem:s3] =	stream.indirect.scatter.add.f32 [tilespmem:s28], [sflag:$0x1], $0x1, s31, s26, $0xb8;
	[tilespmem:$0x5800] =	vst v63  }
0x176: {  	_ = 	snop  }
0x177: {  	[spmem:s3] =	stream.indirect.scatter.add.f32 [tilespmem:s28], [sflag:$0x1], $0x1, s20, s26, $0xb8;
	[tilespmem:$0x5800] =	vst v63  }
0x178: {  	s31 =	simm.s32 $0x1080  }
0x179: {  	[spmem:s3] =	stream.indirect.scatter.add.f32 [tilespmem:s28], [sflag:$0x1], $0x1, s31, s26, $0xb8;
	[tilespmem:$0x5800] =	vst v63  }
0x17a: {  	s31 =	simm.s32 $0x1100  }
0x17b: {  	[spmem:s3] =	stream.indirect.scatter.add.f32 [tilespmem:s28], [sflag:$0x1], $0x1, s31, s26, $0xb8;
	[tilespmem:$0x5800] =	vst v63  }
0x17c: {  	s31 =	simm.s32 $0x1180  }
0x17d: {  	[spmem:s3] =	stream.indirect.scatter.add.f32 [tilespmem:s28], [sflag:$0x1], $0x1, s31, s26, $0xb8;
	[tilespmem:$0x5800] =	vst v63  }
0x17e: {  	s31 =	simm.s32 $0x1200  }
0x17f: {  	[spmem:s3] =	stream.indirect.scatter.add.f32 [tilespmem:s28], [sflag:$0x1], $0x1, s31, s26, $0xb8;
	[tilespmem:$0x5800] =	vst v63  }
0x180: {  	s31 =	simm.s32 $0x1280  }
0x181: {  	[spmem:s3] =	stream.indirect.scatter.add.f32 [tilespmem:s28], [sflag:$0x1], $0x1, s31, s26, $0xb8;
	[tilespmem:$0x5800] =	vst v63  }
0x182: {  	s31 =	simm.s32 $0x1300  }
0x183: {  	[spmem:s3] =	stream.indirect.scatter.add.f32 [tilespmem:s28], [sflag:$0x1], $0x1, s31, s26, $0xb8;
	[tilespmem:$0x5800] =	vst v63  }
0x184: {  	s31 =	simm.s32 $0x1380  }
0x185: {  	[spmem:s3] =	stream.indirect.scatter.add.f32 [tilespmem:s28], [sflag:$0x1], $0x1, s31, s26, $0xb8;
	[tilespmem:$0x5800] =	vst v63  }
0x186: {  	s31 =	simm.s32 $0x1400  }
0x187: {  	[spmem:s3] =	stream.indirect.scatter.add.f32 [tilespmem:s28], [sflag:$0x1], $0x1, s31, s26, $0xb8;
	[tilespmem:$0x5800] =	vst v63  }
0x188: {  	s31 =	simm.s32 $0x1480  }
0x189: {  	[spmem:s3] =	stream.indirect.scatter.add.f32 [tilespmem:s28], [sflag:$0x1], $0x1, s31, s26, $0xb8;
	[tilespmem:$0x5800] =	vst v63  }
0x18a: {  	s31 =	simm.s32 $0x1500  }
0x18b: {  	[spmem:s3] =	stream.indirect.scatter.add.f32 [tilespmem:s28], [sflag:$0x1], $0x1, s31, s26, $0xb8;
	[tilespmem:$0x5800] =	vst v63  }
0x18c: {  	s31 =	simm.s32 $0x1580  }
0x18d: {  	[spmem:s3] =	stream.indirect.scatter.add.f32 [tilespmem:s28], [sflag:$0x1], $0x1, s31, s26, $0xb8;
	[tilespmem:$0x5800] =	vst v63  }
0x18e: {  	s31 =	simm.s32 $0x1600  }
0x18f: {  	[spmem:s3] =	stream.indirect.scatter.add.f32 [tilespmem:s28], [sflag:$0x1], $0x1, s31, s26, $0xb8;
	[tilespmem:$0x5800] =	vst v63  }
0x190: {  	s31 =	simm.s32 $0x1680  }
0x191: {  	[spmem:s3] =	stream.indirect.scatter.add.f32 [tilespmem:s28], [sflag:$0x1], $0x1, s31, s26, $0xb8;
	[tilespmem:$0x5800] =	vst v63  }
0x192: {  	s31 =	simm.s32 $0x1700  }
0x193: {  	[spmem:s3] =	stream.indirect.scatter.add.f32 [tilespmem:s28], [sflag:$0x1], $0x1, s31, s26, $0xb8;
	[tilespmem:$0x5800] =	vst v63  }
0x194: {  	s31 =	simm.s32 $0x1780  }
0x195: {  	[spmem:s3] =	stream.indirect.scatter.add.f32 [tilespmem:s28], [sflag:$0x1], $0x1, s31, s26, $0xb8;
	[tilespmem:$0x5800] =	vst v63  }
0x196: {  	s31 =	simm.s32 $0x1800  }
0x197: {  	[spmem:s3] =	stream.indirect.scatter.add.f32 [tilespmem:s28], [sflag:$0x1], $0x1, s31, s26, $0xb8;
	[tilespmem:$0x5800] =	vst v63  }
0x198: {  	s31 =	simm.s32 $0x1880  }
0x199: {  	[spmem:s3] =	stream.indirect.scatter.add.f32 [tilespmem:s28], [sflag:$0x1], $0x1, s31, s26, $0xb8;
	[tilespmem:$0x5800] =	vst v63  }
0x19a: {  	s31 =	simm.s32 $0x1900  }
0x19b: {  	[spmem:s3] =	stream.indirect.scatter.add.f32 [tilespmem:s28], [sflag:$0x1], $0x1, s31, s26, $0xb8;
	[tilespmem:$0x5800] =	vst v63  }
0x19c: {  	s31 =	simm.s32 $0x1980  }
0x19d: {  	[spmem:s3] =	stream.indirect.scatter.add.f32 [tilespmem:s28], [sflag:$0x1], $0x1, s31, s26, $0xb8;
	[tilespmem:$0x5800] =	vst v63  }
0x19e: {  	s31 =	simm.s32 $0x1A00  }
0x19f: {  	[spmem:s3] =	stream.indirect.scatter.add.f32 [tilespmem:s28], [sflag:$0x1], $0x1, s31, s26, $0xb8;
	[tilespmem:$0x5800] =	vst v63  }
0x1a0: {  	s31 =	simm.s32 $0x1A80  }
0x1a1: {  	[spmem:s3] =	stream.indirect.scatter.add.f32 [tilespmem:s28], [sflag:$0x1], $0x1, s31, s26, $0xb8;
	[tilespmem:$0x5800] =	vst v63  }
0x1a2: {  	s31 =	simm.s32 $0x1B00  }
0x1a3: {  	[spmem:s3] =	stream.indirect.scatter.add.f32 [tilespmem:s28], [sflag:$0x1], $0x1, s31, s26, $0xb8;
	[tilespmem:$0x5800] =	vst v63  }
0x1a4: {  	s31 =	simm.s32 $0x1B80  }
0x1a5: {  	[spmem:s3] =	stream.indirect.scatter.add.f32 [tilespmem:s28], [sflag:$0x1], $0x1, s31, s26, $0xb8;
	[tilespmem:$0x5800] =	vst v63  }
0x1a6: {  	s31 =	simm.s32 $0x1C00  }
0x1a7: {  	[spmem:s3] =	stream.indirect.scatter.add.f32 [tilespmem:s28], [sflag:$0x1], $0x1, s31, s26, $0xb8;
	[tilespmem:$0x5800] =	vst v63  }
0x1a8: {  	_ = 	snop  }
0x1a9: {  	[spmem:s3] =	stream.indirect.scatter.add.f32 [tilespmem:s28], [sflag:$0x1], $0x1, s22, s26, $0xb8;
	[tilespmem:$0x5800] =	vst v63  }
0x1aa: {  	s31 =	simm.s32 $0x2080  }
0x1ab: {  	[spmem:s3] =	stream.indirect.scatter.add.f32 [tilespmem:s28], [sflag:$0x1], $0x1, s31, s26, $0xb8;
	[tilespmem:$0x5800] =	vst v63  }
0x1ac: {  	s31 =	simm.s32 $0x2100  }
0x1ad: {  	[spmem:s3] =	stream.indirect.scatter.add.f32 [tilespmem:s28], [sflag:$0x1], $0x1, s31, s26, $0xb8;
	[tilespmem:$0x5800] =	vst v63  }
0x1ae: {  	s31 =	simm.s32 $0x2180  }
0x1af: {  	[spmem:s3] =	stream.indirect.scatter.add.f32 [tilespmem:s28], [sflag:$0x1], $0x1, s31, s26, $0xb8;
	[tilespmem:$0x5800] =	vst v63  }
0x1b0: {  	s31 =	simm.s32 $0x2200  }
0x1b1: {  	[spmem:s3] =	stream.indirect.scatter.add.f32 [tilespmem:s28], [sflag:$0x1], $0x1, s31, s26, $0xb8;
	[tilespmem:$0x5800] =	vst v63  }
0x1b2: {  	s31 =	simm.s32 $0x2280  }
0x1b3: {  	[spmem:s3] =	stream.indirect.scatter.add.f32 [tilespmem:s28], [sflag:$0x1], $0x1, s31, s26, $0xb8;
	[tilespmem:$0x5800] =	vst v63  }
0x1b4: {  	s31 =	simm.s32 $0x2300  }
0x1b5: {  	[spmem:s3] =	stream.indirect.scatter.add.f32 [tilespmem:s28], [sflag:$0x1], $0x1, s31, s26, $0xb8;
	[tilespmem:$0x5800] =	vst v63  }
0x1b6: {  	s31 =	simm.s32 $0x2380  }
0x1b7: {  	[spmem:s3] =	stream.indirect.scatter.add.f32 [tilespmem:s28], [sflag:$0x1], $0x1, s31, s26, $0xb8;
	[tilespmem:$0x5800] =	vst v63  }
0x1b8: {  	s31 =	simm.s32 $0x2400  }
0x1b9: {  	[spmem:s3] =	stream.indirect.scatter.add.f32 [tilespmem:s28], [sflag:$0x1], $0x1, s31, s26, $0xb8;
	[tilespmem:$0x5800] =	vst v63  }
0x1ba: {  	s31 =	simm.s32 $0x2480  }
0x1bb: {  	[spmem:s3] =	stream.indirect.scatter.add.f32 [tilespmem:s28], [sflag:$0x1], $0x1, s31, s26, $0xb8;
	[tilespmem:$0x5800] =	vst v63  }
0x1bc: {  	s31 =	simm.s32 $0x2500  }
0x1bd: {  	[spmem:s3] =	stream.indirect.scatter.add.f32 [tilespmem:s28], [sflag:$0x1], $0x1, s31, s26, $0xb8;
	[tilespmem:$0x5800] =	vst v63  }
0x1be: {  	s31 =	simm.s32 $0x2580  }
0x1bf: {  	[spmem:s3] =	stream.indirect.scatter.add.f32 [tilespmem:s28], [sflag:$0x1], $0x1, s31, s26, $0xb8;
	[tilespmem:$0x5800] =	vst v63  }
0x1c0: {  	s31 =	simm.s32 $0x2600  }
0x1c1: {  	[spmem:s3] =	stream.indirect.scatter.add.f32 [tilespmem:s28], [sflag:$0x1], $0x1, s31, s26, $0xb8;
	[tilespmem:$0x5800] =	vst v63  }
0x1c2: {  	s31 =	simm.s32 $0x2680  }
0x1c3: {  	[spmem:s3] =	stream.indirect.scatter.add.f32 [tilespmem:s28], [sflag:$0x1], $0x1, s31, s26, $0xb8;
	[tilespmem:$0x5800] =	vst v63  }
0x1c4: {  	s31 =	simm.s32 $0x2700  }
0x1c5: {  	[spmem:s3] =	stream.indirect.scatter.add.f32 [tilespmem:s28], [sflag:$0x1], $0x1, s31, s26, $0xb8;
	[tilespmem:$0x5800] =	vst v63  }
0x1c6: {  	s31 =	simm.s32 $0x2780  }
0x1c7: {  	[spmem:s3] =	stream.indirect.scatter.add.f32 [tilespmem:s28], [sflag:$0x1], $0x1, s31, s26, $0xb8;
	[tilespmem:$0x5800] =	vst v63  }
0x1c8: {  	s31 =	simm.s32 $0x2800  }
0x1c9: {  	[spmem:s3] =	stream.indirect.scatter.add.f32 [tilespmem:s28], [sflag:$0x1], $0x1, s31, s26, $0xb8;
	[tilespmem:$0x5800] =	vst v63  }
0x1ca: {  	s31 =	simm.s32 $0x2880  }
0x1cb: {  	[spmem:s3] =	stream.indirect.scatter.add.f32 [tilespmem:s28], [sflag:$0x1], $0x1, s31, s26, $0xb8;
	[tilespmem:$0x5800] =	vst v63  }
0x1cc: {  	s31 =	simm.s32 $0x2900  }
0x1cd: {  	[spmem:s3] =	stream.indirect.scatter.add.f32 [tilespmem:s28], [sflag:$0x1], $0x1, s31, s26, $0xb8;
	[tilespmem:$0x5800] =	vst v63  }
0x1ce: {  	s31 =	simm.s32 $0x2980  }
0x1cf: {  	[spmem:s3] =	stream.indirect.scatter.add.f32 [tilespmem:s28], [sflag:$0x1], $0x1, s31, s26, $0xb8;
	[tilespmem:$0x5800] =	vst v63  }
0x1d0: {  	s31 =	simm.s32 $0x2A00  }
0x1d1: {  	[spmem:s3] =	stream.indirect.scatter.add.f32 [tilespmem:s28], [sflag:$0x1], $0x1, s31, s26, $0xb8;
	[tilespmem:$0x5800] =	vst v63  }
0x1d2: {  	s31 =	simm.s32 $0x2A80  }
0x1d3: {  	[spmem:s3] =	stream.indirect.scatter.add.f32 [tilespmem:s28], [sflag:$0x1], $0x1, s31, s26, $0xb8;
	[tilespmem:$0x5800] =	vst v63  }
0x1d4: {  	s31 =	simm.s32 $0x2B00  }
0x1d5: {  	[spmem:s3] =	stream.indirect.scatter.add.f32 [tilespmem:s28], [sflag:$0x1], $0x1, s31, s26, $0xb8;
	[tilespmem:$0x5800] =	vst v63  }
0x1d6: {  	s31 =	simm.s32 $0x2B80  }
0x1d7: {  	[spmem:s3] =	stream.indirect.scatter.add.f32 [tilespmem:s28], [sflag:$0x1], $0x1, s31, s26, $0xb8;
	[tilespmem:$0x5800] =	vst v63  }
0x1d8: {  	s31 =	simm.s32 $0x2C00  }
0x1d9: {  	[spmem:s3] =	stream.indirect.scatter.add.f32 [tilespmem:s28], [sflag:$0x1], $0x1, s31, s26, $0xb8;
	[tilespmem:$0x5800] =	vst v63  }
0x1da: {  	_ = 	snop  }
0x1db: {  	[spmem:s3] =	stream.indirect.scatter.add.f32 [tilespmem:s28], [sflag:$0x1], $0x1, s24, s26, $0xb8;
	[tilespmem:$0x5800] =	vst v63  }
0x1dc: {  	s31 =	simm.s32 $0x3080  }
0x1dd: {  	[spmem:s3] =	stream.indirect.scatter.add.f32 [tilespmem:s28], [sflag:$0x1], $0x1, s31, s26, $0xb8;
	[tilespmem:$0x5800] =	vst v63  }
0x1de: {  	s31 =	simm.s32 $0x3100  }
0x1df: {  	[spmem:s3] =	stream.indirect.scatter.add.f32 [tilespmem:s28], [sflag:$0x1], $0x1, s31, s26, $0xb8;
	[tilespmem:$0x5800] =	vst v63  }
0x1e0: {  	s31 =	simm.s32 $0x3180  }
0x1e1: {  	[spmem:s3] =	stream.indirect.scatter.add.f32 [tilespmem:s28], [sflag:$0x1], $0x1, s31, s26, $0xb8;
	[tilespmem:$0x5800] =	vst v63  }
0x1e2: {  	s31 =	simm.s32 $0x3200  }
0x1e3: {  	[spmem:s3] =	stream.indirect.scatter.add.f32 [tilespmem:s28], [sflag:$0x1], $0x1, s31, s26, $0xb8;
	[tilespmem:$0x5800] =	vst v63  }
0x1e4: {  	s31 =	simm.s32 $0x3280  }
0x1e5: {  	[spmem:s3] =	stream.indirect.scatter.add.f32 [tilespmem:s28], [sflag:$0x1], $0x1, s31, s26, $0xb8;
	[tilespmem:$0x5800] =	vst v63  }
0x1e6: {  	s31 =	simm.s32 $0x3300  }
0x1e7: {  	[spmem:s3] =	stream.indirect.scatter.add.f32 [tilespmem:s28], [sflag:$0x1], $0x1, s31, s26, $0xb8;
	[tilespmem:$0x5800] =	vst v63  }
0x1e8: {  	s31 =	simm.s32 $0x3380  }
0x1e9: {  	[spmem:s3] =	stream.indirect.scatter.add.f32 [tilespmem:s28], [sflag:$0x1], $0x1, s31, s26, $0xb8;
	[tilespmem:$0x5800] =	vst v63  }
0x1ea: {  	s31 =	simm.s32 $0x3400  }
0x1eb: {  	[spmem:s3] =	stream.indirect.scatter.add.f32 [tilespmem:s28], [sflag:$0x1], $0x1, s31, s26, $0xb8;
	[tilespmem:$0x5800] =	vst v63  }
0x1ec: {  	s31 =	simm.s32 $0x3480  }
0x1ed: {  	[spmem:s3] =	stream.indirect.scatter.add.f32 [tilespmem:s28], [sflag:$0x1], $0x1, s31, s26, $0xb8;
	[tilespmem:$0x5800] =	vst v63  }
0x1ee: {  	s31 =	simm.s32 $0x3500  }
0x1ef: {  	[spmem:s3] =	stream.indirect.scatter.add.f32 [tilespmem:s28], [sflag:$0x1], $0x1, s31, s26, $0xb8;
	[tilespmem:$0x5800] =	vst v63  }
0x1f0: {  	s31 =	simm.s32 $0x3580  }
0x1f1: {  	[spmem:s3] =	stream.indirect.scatter.add.f32 [tilespmem:s28], [sflag:$0x1], $0x1, s31, s26, $0xb8;
	[tilespmem:$0x5800] =	vst v63  }
0x1f2: {  	s31 =	simm.s32 $0x3600  }
0x1f3: {  	[spmem:s3] =	stream.indirect.scatter.add.f32 [tilespmem:s28], [sflag:$0x1], $0x1, s31, s26, $0xb8;
	[tilespmem:$0x5800] =	vst v63  }
0x1f4: {  	s31 =	simm.s32 $0x3680  }
0x1f5: {  	[spmem:s3] =	stream.indirect.scatter.add.f32 [tilespmem:s28], [sflag:$0x1], $0x1, s31, s26, $0xb8;
	[tilespmem:$0x5800] =	vst v63  }
0x1f6: {  	s31 =	simm.s32 $0x3700  }
0x1f7: {  	[spmem:s3] =	stream.indirect.scatter.add.f32 [tilespmem:s28], [sflag:$0x1], $0x1, s31, s26, $0xb8;
	[tilespmem:$0x5800] =	vst v63  }
0x1f8: {  	s31 =	simm.s32 $0x3780  }
0x1f9: {  	[spmem:s3] =	stream.indirect.scatter.add.f32 [tilespmem:s28], [sflag:$0x1], $0x1, s31, s26, $0xb8;
	[tilespmem:$0x5800] =	vst v63  }
0x1fa: {  	s31 =	simm.s32 $0x3800  }
0x1fb: {  	[spmem:s3] =	stream.indirect.scatter.add.f32 [tilespmem:s28], [sflag:$0x1], $0x1, s31, s26, $0xb8;
	[tilespmem:$0x5800] =	vst v63  }
0x1fc: {  	s31 =	simm.s32 $0x3880  }
0x1fd: {  	[spmem:s3] =	stream.indirect.scatter.add.f32 [tilespmem:s28], [sflag:$0x1], $0x1, s31, s26, $0xb8;
	[tilespmem:$0x5800] =	vst v63  }
0x1fe: {  	s31 =	simm.s32 $0x3900  }
0x1ff: {  	[spmem:s3] =	stream.indirect.scatter.add.f32 [tilespmem:s28], [sflag:$0x1], $0x1, s31, s26, $0xb8;
	[tilespmem:$0x5800] =	vst v63  }
0x200: {  	s31 =	simm.s32 $0x3980  }
0x201: {  	[spmem:s3] =	stream.indirect.scatter.add.f32 [tilespmem:s28], [sflag:$0x1], $0x1, s31, s26, $0xb8;
	[tilespmem:$0x5800] =	vst v63  }
0x202: {  	s31 =	simm.s32 $0x3A00  }
0x203: {  	[spmem:s3] =	stream.indirect.scatter.add.f32 [tilespmem:s28], [sflag:$0x1], $0x1, s31, s26, $0xb8;
	[tilespmem:$0x5800] =	vst v63  }
0x204: {  	s31 =	simm.s32 $0x3A80  }
0x205: {  	[spmem:s3] =	stream.indirect.scatter.add.f32 [tilespmem:s28], [sflag:$0x1], $0x1, s31, s26, $0xb8;
	[tilespmem:$0x5800] =	vst v63  }
0x206: {  	s31 =	simm.s32 $0x3B00  }
0x207: {  	[spmem:s3] =	stream.indirect.scatter.add.f32 [tilespmem:s28], [sflag:$0x1], $0x1, s31, s26, $0xb8;
	[tilespmem:$0x5800] =	vst v63  }
0x208: {  	s31 =	simm.s32 $0x3B80  }
0x209: {  	[spmem:s3] =	stream.indirect.scatter.add.f32 [tilespmem:s28], [sflag:$0x1], $0x1, s31, s26, $0xb8;
	[tilespmem:$0x5800] =	vst v63  }
0x20a: {  	s31 =	simm.s32 $0x3C00  }
0x20b: {  	[spmem:s3] =	stream.indirect.scatter.add.f32 [tilespmem:s28], [sflag:$0x1], $0x1, s31, s26, $0xb8;
	[tilespmem:$0x5800] =	vst v63  }
0x20c: {  	_ = 	snop  }
0x20d: {  	[spmem:s3] =	stream.indirect.scatter.add.f32 [tilespmem:s28], [sflag:$0x1], $0x1, s25, s26, $0xb8;
	[tilespmem:$0x5800] =	vst v63  }
0x20e: {  	s31 =	simm.s32 $0x4080  }
0x20f: {  	[spmem:s3] =	stream.indirect.scatter.add.f32 [tilespmem:s28], [sflag:$0x1], $0x1, s31, s26, $0xb8;
	[tilespmem:$0x5800] =	vst v63  }
0x210: {  	s31 =	simm.s32 $0x4100  }
0x211: {  	[spmem:s3] =	stream.indirect.scatter.add.f32 [tilespmem:s28], [sflag:$0x1], $0x1, s31, s26, $0xb8;
	[tilespmem:$0x5800] =	vst v63  }
0x212: {  	s31 =	simm.s32 $0x4180  }
0x213: {  	[spmem:s3] =	stream.indirect.scatter.add.f32 [tilespmem:s28], [sflag:$0x1], $0x1, s31, s26, $0xb8;
	[tilespmem:$0x5800] =	vst v63  }
0x214: {  	s31 =	simm.s32 $0x4200  }
0x215: {  	[spmem:s3] =	stream.indirect.scatter.add.f32 [tilespmem:s28], [sflag:$0x1], $0x1, s31, s26, $0xb8;
	[tilespmem:$0x5800] =	vst v63  }
0x216: {  	s31 =	simm.s32 $0x4280  }
0x217: {  	[spmem:s3] =	stream.indirect.scatter.add.f32 [tilespmem:s28], [sflag:$0x1], $0x1, s31, s26, $0xb8;
	[tilespmem:$0x5800] =	vst v63  }
0x218: {  	s31 =	simm.s32 $0x4300  }
0x219: {  	[spmem:s3] =	stream.indirect.scatter.add.f32 [tilespmem:s28], [sflag:$0x1], $0x1, s31, s26, $0xb8;
	[tilespmem:$0x5800] =	vst v63  }
0x21a: {  	s31 =	simm.s32 $0x4380  }
0x21b: {  	[spmem:s3] =	stream.indirect.scatter.add.f32 [tilespmem:s28], [sflag:$0x1], $0x1, s31, s26, $0xb8;
	[tilespmem:$0x5800] =	vst v63  }
0x21c: {  	s31 =	simm.s32 $0x4400  }
0x21d: {  	[spmem:s3] =	stream.indirect.scatter.add.f32 [tilespmem:s28], [sflag:$0x1], $0x1, s31, s26, $0xb8;
	[tilespmem:$0x5800] =	vst v63  }
0x21e: {  	s31 =	simm.s32 $0x4480  }
0x21f: {  	[spmem:s3] =	stream.indirect.scatter.add.f32 [tilespmem:s28], [sflag:$0x1], $0x1, s31, s26, $0xb8;
	[tilespmem:$0x5800] =	vst v63  }
0x220: {  	s31 =	simm.s32 $0x4500  }
0x221: {  	[spmem:s3] =	stream.indirect.scatter.add.f32 [tilespmem:s28], [sflag:$0x1], $0x1, s31, s26, $0xb8;
	[tilespmem:$0x5800] =	vst v63  }
0x222: {  	s31 =	simm.s32 $0x4580  }
0x223: {  	[spmem:s3] =	stream.indirect.scatter.add.f32 [tilespmem:s28], [sflag:$0x1], $0x1, s31, s26, $0xb8;
	[tilespmem:$0x5800] =	vst v63  }
0x224: {  	s31 =	simm.s32 $0x4600  }
0x225: {  	[spmem:s3] =	stream.indirect.scatter.add.f32 [tilespmem:s28], [sflag:$0x1], $0x1, s31, s26, $0xb8;
	[tilespmem:$0x5800] =	vst v63  }
0x226: {  	s31 =	simm.s32 $0x4680  }
0x227: {  	[spmem:s3] =	stream.indirect.scatter.add.f32 [tilespmem:s28], [sflag:$0x1], $0x1, s31, s26, $0xb8;
	[tilespmem:$0x5800] =	vst v63  }
0x228: {  	s31 =	simm.s32 $0x4700  }
0x229: {  	[spmem:s3] =	stream.indirect.scatter.add.f32 [tilespmem:s28], [sflag:$0x1], $0x1, s31, s26, $0xb8;
	[tilespmem:$0x5800] =	vst v63  }
0x22a: {  	s31 =	simm.s32 $0x4780  }
0x22b: {  	[spmem:s3] =	stream.indirect.scatter.add.f32 [tilespmem:s28], [sflag:$0x1], $0x1, s31, s26, $0xb8;
	[tilespmem:$0x5800] =	vst v63  }
0x22c: {  	_ = 	snop  }
0x22d: {  	[spmem:s3] =	stream.indirect.scatter.add.f32 [tilespmem:s28], [sflag:$0x1], $0x1, s2, s26, $0xb8;
	[tilespmem:$0x5800] =	vst v63  }
0x22e: {  	_ = 	snop  }
0x22f: {  	[spmem:s3] =	stream.indirect.scatter.add.f32 [tilespmem:s28], [sflag:$0x1], $0x1, s0, s26, $0xb8;
	[tilespmem:$0x5800] =	vst v63  }
0x230: {  	_ = 	snop  }
0x231: {  	[spmem:s3] =	stream.indirect.scatter.add.f32 [tilespmem:s28], [sflag:$0x1], $0x1, s12, s26, $0xb8;
	[tilespmem:$0x5800] =	vst v63  }
0x232: {  	_ = 	snop  }
0x233: {  	[spmem:s3] =	stream.indirect.scatter.add.f32 [tilespmem:s28], [sflag:$0x1], $0x1, s13, s26, $0xb8;
	[tilespmem:$0x5800] =	vst v63  }
0x234: {  	_ = 	snop  }
0x235: {  	[spmem:s3] =	stream.indirect.scatter.add.f32 [tilespmem:s28], [sflag:$0x1], $0x1, s14, s26, $0xb8;
	[tilespmem:$0x5800] =	vst v63  }
0x236: {  	_ = 	snop  }
0x237: {  	[spmem:s3] =	stream.indirect.scatter.add.f32 [tilespmem:s28], [sflag:$0x1], $0x1, s19, s26, $0xb8;
	[tilespmem:$0x5800] =	vst v63  }
0x238: {  	_ = 	snop  }
0x239: {  	[spmem:s3] =	stream.indirect.scatter.add.f32 [tilespmem:s28], [sflag:$0x1], $0x1, s21, s26, $0xb8;
	[tilespmem:$0x5800] =	vst v63  }
0x23a: {  	_ = 	snop  }
0x23b: {  	[spmem:s3] =	stream.indirect.scatter.add.f32 [tilespmem:s28], [sflag:$0x1], $0x1, s23, s26, $0xb8;
	[tilespmem:$0x5800] =	vst v63  }
0x23c: {  	_ = 	snop  }
0x23d: {  	[spmem:s3] =	stream.indirect.scatter.add.f32 [tilespmem:s28], [sflag:$0x1], $0x1, s11, s26, $0xb8;
	[tilespmem:$0x5800] =	vst v63  }
0x23e: {  	_ =	swait.ge [sflag:s29], $0x50  }
0x23f: {  	s31 =	simm.s32 $0x7C;
	[sflag:s29] =	ssyncset.done $0x0  }
.LBB2_4:
0x240: {  	p0 =	sne.s32 s31, $0x1;
	s31 =	sadd.s32 $0xFFFFFFFF, s31;
	[sflag:s29] =	ssyncadd.s32 $0xFFFFFFB0  }
.Ltmp1:
0x241: {  	(pc) =	sbr.rel @p0 .LBB2_4-.Ltmp1, $3  }
0x242: {  	_ =	sdelay $0x1  }
0x243: {  	_ =	swait.ge [sflag:s29], $0x50  }
0x244: {  	[sflag:s29] =	ssyncset.done $0x0  }
0x245: {  	[sflag:s29] =	ssyncadd.s32 $0xFFFFFFB0  }
0x246: {  	[tilespmem:s5], [sflag:$0x2] =	stream.linear.gather [hbm4b:s10+s5], $0xC80, $0x38;
	[tilespmem:$0x5800] =	vst v63  }
0x247: {  	s31 =	sadd.s32 $0x200, s10  }
0x248: {  	[tilespmem:s20], [sflag:$0x2] =	stream.linear.gather [hbm4b:s31+s5], $0xC80, $0x38;
	[tilespmem:$0x5800] =	vst v63  }
0x249: {  	s31 =	sadd.s32 $0x400, s10  }
0x24a: {  	[tilespmem:s22], [sflag:$0x2] =	stream.linear.gather [hbm4b:s31+s5], $0xC80, $0x38;
	[tilespmem:$0x5800] =	vst v63  }
0x24b: {  	s31 =	sadd.s32 $0x600, s10  }
0x24c: {  	[tilespmem:s24], [sflag:$0x2] =	stream.linear.gather [hbm4b:s31+s5], $0xC80, $0x38;
	[tilespmem:$0x5800] =	vst v63  }
0x24d: {  	s31 =	sadd.s32 $0x800, s10  }
0x24e: {  	[tilespmem:s25], [sflag:$0x2] =	stream.linear.gather [hbm4b:s31+s5], $0xC80, $0x38;
	[tilespmem:$0x5800] =	vst v63  }
0x24f: {  	_ =	swait.ge [sflag:s16], $0x3E80  }
0x250: {  	[sflag:s16] =	ssyncset.done $0x0  }
0x251: {  	[sflag:s16] =	ssyncadd.s32 $0xFFFFC180  }
0x252: {  	[spmem:s4] =	stream.indirect.scatter.add.f32 [tilespmem:s28], [sflag:$0x1], $0x1, s5, s26, $0xb8;
	[tilespmem:$0x5800] =	vst v63  }
0x253: {  	s31 =	simm.s32 $0x80  }
0x254: {  	[spmem:s4] =	stream.indirect.scatter.add.f32 [tilespmem:s28], [sflag:$0x1], $0x1, s31, s26, $0xb8;
	[tilespmem:$0x5800] =	vst v63  }
0x255: {  	s31 =	simm.s32 $0x100  }
0x256: {  	[spmem:s4] =	stream.indirect.scatter.add.f32 [tilespmem:s28], [sflag:$0x1], $0x1, s31, s26, $0xb8;
	[tilespmem:$0x5800] =	vst v63  }
0x257: {  	s31 =	simm.s32 $0x180  }
0x258: {  	[spmem:s4] =	stream.indirect.scatter.add.f32 [tilespmem:s28], [sflag:$0x1], $0x1, s31, s26, $0xb8;
	[tilespmem:$0x5800] =	vst v63  }
0x259: {  	s31 =	simm.s32 $0x200  }
0x25a: {  	[spmem:s4] =	stream.indirect.scatter.add.f32 [tilespmem:s28], [sflag:$0x1], $0x1, s31, s26, $0xb8;
	[tilespmem:$0x5800] =	vst v63  }
0x25b: {  	s31 =	simm.s32 $0x280  }
0x25c: {  	[spmem:s4] =	stream.indirect.scatter.add.f32 [tilespmem:s28], [sflag:$0x1], $0x1, s31, s26, $0xb8;
	[tilespmem:$0x5800] =	vst v63  }
0x25d: {  	s31 =	simm.s32 $0x300  }
0x25e: {  	[spmem:s4] =	stream.indirect.scatter.add.f32 [tilespmem:s28], [sflag:$0x1], $0x1, s31, s26, $0xb8;
	[tilespmem:$0x5800] =	vst v63  }
0x25f: {  	s31 =	simm.s32 $0x380  }
0x260: {  	[spmem:s4] =	stream.indirect.scatter.add.f32 [tilespmem:s28], [sflag:$0x1], $0x1, s31, s26, $0xb8;
	[tilespmem:$0x5800] =	vst v63  }
0x261: {  	s31 =	simm.s32 $0x400  }
0x262: {  	[spmem:s4] =	stream.indirect.scatter.add.f32 [tilespmem:s28], [sflag:$0x1], $0x1, s31, s26, $0xb8;
	[tilespmem:$0x5800] =	vst v63  }
0x263: {  	s31 =	simm.s32 $0x480  }
0x264: {  	[spmem:s4] =	stream.indirect.scatter.add.f32 [tilespmem:s28], [sflag:$0x1], $0x1, s31, s26, $0xb8;
	[tilespmem:$0x5800] =	vst v63  }
0x265: {  	s31 =	simm.s32 $0x500  }
0x266: {  	[spmem:s4] =	stream.indirect.scatter.add.f32 [tilespmem:s28], [sflag:$0x1], $0x1, s31, s26, $0xb8;
	[tilespmem:$0x5800] =	vst v63  }
0x267: {  	s31 =	simm.s32 $0x580  }
0x268: {  	[spmem:s4] =	stream.indirect.scatter.add.f32 [tilespmem:s28], [sflag:$0x1], $0x1, s31, s26, $0xb8;
	[tilespmem:$0x5800] =	vst v63  }
0x269: {  	s31 =	simm.s32 $0x600  }
0x26a: {  	[spmem:s4] =	stream.indirect.scatter.add.f32 [tilespmem:s28], [sflag:$0x1], $0x1, s31, s26, $0xb8;
	[tilespmem:$0x5800] =	vst v63  }
0x26b: {  	s31 =	simm.s32 $0x680  }
0x26c: {  	[spmem:s4] =	stream.indirect.scatter.add.f32 [tilespmem:s28], [sflag:$0x1], $0x1, s31, s26, $0xb8;
	[tilespmem:$0x5800] =	vst v63  }
0x26d: {  	s31 =	simm.s32 $0x700  }
0x26e: {  	[spmem:s4] =	stream.indirect.scatter.add.f32 [tilespmem:s28], [sflag:$0x1], $0x1, s31, s26, $0xb8;
	[tilespmem:$0x5800] =	vst v63  }
0x26f: {  	s31 =	simm.s32 $0x780  }
0x270: {  	[spmem:s4] =	stream.indirect.scatter.add.f32 [tilespmem:s28], [sflag:$0x1], $0x1, s31, s26, $0xb8;
	[tilespmem:$0x5800] =	vst v63  }
0x271: {  	s31 =	simm.s32 $0x800  }
0x272: {  	[spmem:s4] =	stream.indirect.scatter.add.f32 [tilespmem:s28], [sflag:$0x1], $0x1, s31, s26, $0xb8;
	[tilespmem:$0x5800] =	vst v63  }
0x273: {  	s31 =	simm.s32 $0x880  }
0x274: {  	[spmem:s4] =	stream.indirect.scatter.add.f32 [tilespmem:s28], [sflag:$0x1], $0x1, s31, s26, $0xb8;
	[tilespmem:$0x5800] =	vst v63  }
0x275: {  	s31 =	simm.s32 $0x900  }
0x276: {  	[spmem:s4] =	stream.indirect.scatter.add.f32 [tilespmem:s28], [sflag:$0x1], $0x1, s31, s26, $0xb8;
	[tilespmem:$0x5800] =	vst v63  }
0x277: {  	s31 =	simm.s32 $0x980  }
0x278: {  	[spmem:s4] =	stream.indirect.scatter.add.f32 [tilespmem:s28], [sflag:$0x1], $0x1, s31, s26, $0xb8;
	[tilespmem:$0x5800] =	vst v63  }
0x279: {  	s31 =	simm.s32 $0xA00  }
0x27a: {  	[spmem:s4] =	stream.indirect.scatter.add.f32 [tilespmem:s28], [sflag:$0x1], $0x1, s31, s26, $0xb8;
	[tilespmem:$0x5800] =	vst v63  }
0x27b: {  	s31 =	simm.s32 $0xA80  }
0x27c: {  	[spmem:s4] =	stream.indirect.scatter.add.f32 [tilespmem:s28], [sflag:$0x1], $0x1, s31, s26, $0xb8;
	[tilespmem:$0x5800] =	vst v63  }
0x27d: {  	s31 =	simm.s32 $0xB00  }
0x27e: {  	[spmem:s4] =	stream.indirect.scatter.add.f32 [tilespmem:s28], [sflag:$0x1], $0x1, s31, s26, $0xb8;
	[tilespmem:$0x5800] =	vst v63  }
0x27f: {  	s31 =	simm.s32 $0xB80  }
0x280: {  	[spmem:s4] =	stream.indirect.scatter.add.f32 [tilespmem:s28], [sflag:$0x1], $0x1, s31, s26, $0xb8;
	[tilespmem:$0x5800] =	vst v63  }
0x281: {  	s31 =	simm.s32 $0xC00  }
0x282: {  	[spmem:s4] =	stream.indirect.scatter.add.f32 [tilespmem:s28], [sflag:$0x1], $0x1, s31, s26, $0xb8;
	[tilespmem:$0x5800] =	vst v63  }
0x283: {  	_ = 	snop  }
0x284: {  	[spmem:s4] =	stream.indirect.scatter.add.f32 [tilespmem:s28], [sflag:$0x1], $0x1, s20, s26, $0xb8;
	[tilespmem:$0x5800] =	vst v63  }
0x285: {  	s31 =	simm.s32 $0x1080  }
0x286: {  	[spmem:s4] =	stream.indirect.scatter.add.f32 [tilespmem:s28], [sflag:$0x1], $0x1, s31, s26, $0xb8;
	[tilespmem:$0x5800] =	vst v63  }
0x287: {  	s31 =	simm.s32 $0x1100  }
0x288: {  	[spmem:s4] =	stream.indirect.scatter.add.f32 [tilespmem:s28], [sflag:$0x1], $0x1, s31, s26, $0xb8;
	[tilespmem:$0x5800] =	vst v63  }
0x289: {  	s31 =	simm.s32 $0x1180  }
0x28a: {  	[spmem:s4] =	stream.indirect.scatter.add.f32 [tilespmem:s28], [sflag:$0x1], $0x1, s31, s26, $0xb8;
	[tilespmem:$0x5800] =	vst v63  }
0x28b: {  	s31 =	simm.s32 $0x1200  }
0x28c: {  	[spmem:s4] =	stream.indirect.scatter.add.f32 [tilespmem:s28], [sflag:$0x1], $0x1, s31, s26, $0xb8;
	[tilespmem:$0x5800] =	vst v63  }
0x28d: {  	s31 =	simm.s32 $0x1280  }
0x28e: {  	[spmem:s4] =	stream.indirect.scatter.add.f32 [tilespmem:s28], [sflag:$0x1], $0x1, s31, s26, $0xb8;
	[tilespmem:$0x5800] =	vst v63  }
0x28f: {  	s31 =	simm.s32 $0x1300  }
0x290: {  	[spmem:s4] =	stream.indirect.scatter.add.f32 [tilespmem:s28], [sflag:$0x1], $0x1, s31, s26, $0xb8;
	[tilespmem:$0x5800] =	vst v63  }
0x291: {  	s31 =	simm.s32 $0x1380  }
0x292: {  	[spmem:s4] =	stream.indirect.scatter.add.f32 [tilespmem:s28], [sflag:$0x1], $0x1, s31, s26, $0xb8;
	[tilespmem:$0x5800] =	vst v63  }
0x293: {  	s31 =	simm.s32 $0x1400  }
0x294: {  	[spmem:s4] =	stream.indirect.scatter.add.f32 [tilespmem:s28], [sflag:$0x1], $0x1, s31, s26, $0xb8;
	[tilespmem:$0x5800] =	vst v63  }
0x295: {  	s31 =	simm.s32 $0x1480  }
0x296: {  	[spmem:s4] =	stream.indirect.scatter.add.f32 [tilespmem:s28], [sflag:$0x1], $0x1, s31, s26, $0xb8;
	[tilespmem:$0x5800] =	vst v63  }
0x297: {  	s31 =	simm.s32 $0x1500  }
0x298: {  	[spmem:s4] =	stream.indirect.scatter.add.f32 [tilespmem:s28], [sflag:$0x1], $0x1, s31, s26, $0xb8;
	[tilespmem:$0x5800] =	vst v63  }
0x299: {  	s31 =	simm.s32 $0x1580  }
0x29a: {  	[spmem:s4] =	stream.indirect.scatter.add.f32 [tilespmem:s28], [sflag:$0x1], $0x1, s31, s26, $0xb8;
	[tilespmem:$0x5800] =	vst v63  }
0x29b: {  	s31 =	simm.s32 $0x1600  }
0x29c: {  	[spmem:s4] =	stream.indirect.scatter.add.f32 [tilespmem:s28], [sflag:$0x1], $0x1, s31, s26, $0xb8;
	[tilespmem:$0x5800] =	vst v63  }
0x29d: {  	s31 =	simm.s32 $0x1680  }
0x29e: {  	[spmem:s4] =	stream.indirect.scatter.add.f32 [tilespmem:s28], [sflag:$0x1], $0x1, s31, s26, $0xb8;
	[tilespmem:$0x5800] =	vst v63  }
0x29f: {  	s31 =	simm.s32 $0x1700  }
0x2a0: {  	[spmem:s4] =	stream.indirect.scatter.add.f32 [tilespmem:s28], [sflag:$0x1], $0x1, s31, s26, $0xb8;
	[tilespmem:$0x5800] =	vst v63  }
0x2a1: {  	s31 =	simm.s32 $0x1780  }
0x2a2: {  	[spmem:s4] =	stream.indirect.scatter.add.f32 [tilespmem:s28], [sflag:$0x1], $0x1, s31, s26, $0xb8;
	[tilespmem:$0x5800] =	vst v63  }
0x2a3: {  	s31 =	simm.s32 $0x1800  }
0x2a4: {  	[spmem:s4] =	stream.indirect.scatter.add.f32 [tilespmem:s28], [sflag:$0x1], $0x1, s31, s26, $0xb8;
	[tilespmem:$0x5800] =	vst v63  }
0x2a5: {  	s31 =	simm.s32 $0x1880  }
0x2a6: {  	[spmem:s4] =	stream.indirect.scatter.add.f32 [tilespmem:s28], [sflag:$0x1], $0x1, s31, s26, $0xb8;
	[tilespmem:$0x5800] =	vst v63  }
0x2a7: {  	s31 =	simm.s32 $0x1900  }
0x2a8: {  	[spmem:s4] =	stream.indirect.scatter.add.f32 [tilespmem:s28], [sflag:$0x1], $0x1, s31, s26, $0xb8;
	[tilespmem:$0x5800] =	vst v63  }
0x2a9: {  	s31 =	simm.s32 $0x1980  }
0x2aa: {  	[spmem:s4] =	stream.indirect.scatter.add.f32 [tilespmem:s28], [sflag:$0x1], $0x1, s31, s26, $0xb8;
	[tilespmem:$0x5800] =	vst v63  }
0x2ab: {  	s31 =	simm.s32 $0x1A00  }
0x2ac: {  	[spmem:s4] =	stream.indirect.scatter.add.f32 [tilespmem:s28], [sflag:$0x1], $0x1, s31, s26, $0xb8;
	[tilespmem:$0x5800] =	vst v63  }
0x2ad: {  	s31 =	simm.s32 $0x1A80  }
0x2ae: {  	[spmem:s4] =	stream.indirect.scatter.add.f32 [tilespmem:s28], [sflag:$0x1], $0x1, s31, s26, $0xb8;
	[tilespmem:$0x5800] =	vst v63  }
0x2af: {  	s31 =	simm.s32 $0x1B00  }
0x2b0: {  	[spmem:s4] =	stream.indirect.scatter.add.f32 [tilespmem:s28], [sflag:$0x1], $0x1, s31, s26, $0xb8;
	[tilespmem:$0x5800] =	vst v63  }
0x2b1: {  	s31 =	simm.s32 $0x1B80  }
0x2b2: {  	[spmem:s4] =	stream.indirect.scatter.add.f32 [tilespmem:s28], [sflag:$0x1], $0x1, s31, s26, $0xb8;
	[tilespmem:$0x5800] =	vst v63  }
0x2b3: {  	s31 =	simm.s32 $0x1C00  }
0x2b4: {  	[spmem:s4] =	stream.indirect.scatter.add.f32 [tilespmem:s28], [sflag:$0x1], $0x1, s31, s26, $0xb8;
	[tilespmem:$0x5800] =	vst v63  }
0x2b5: {  	_ = 	snop  }
0x2b6: {  	[spmem:s4] =	stream.indirect.scatter.add.f32 [tilespmem:s28], [sflag:$0x1], $0x1, s22, s26, $0xb8;
	[tilespmem:$0x5800] =	vst v63  }
0x2b7: {  	s31 =	simm.s32 $0x2080  }
0x2b8: {  	[spmem:s4] =	stream.indirect.scatter.add.f32 [tilespmem:s28], [sflag:$0x1], $0x1, s31, s26, $0xb8;
	[tilespmem:$0x5800] =	vst v63  }
0x2b9: {  	s31 =	simm.s32 $0x2100  }
0x2ba: {  	[spmem:s4] =	stream.indirect.scatter.add.f32 [tilespmem:s28], [sflag:$0x1], $0x1, s31, s26, $0xb8;
	[tilespmem:$0x5800] =	vst v63  }
0x2bb: {  	s31 =	simm.s32 $0x2180  }
0x2bc: {  	[spmem:s4] =	stream.indirect.scatter.add.f32 [tilespmem:s28], [sflag:$0x1], $0x1, s31, s26, $0xb8;
	[tilespmem:$0x5800] =	vst v63  }
0x2bd: {  	s31 =	simm.s32 $0x2200  }
0x2be: {  	[spmem:s4] =	stream.indirect.scatter.add.f32 [tilespmem:s28], [sflag:$0x1], $0x1, s31, s26, $0xb8;
	[tilespmem:$0x5800] =	vst v63  }
0x2bf: {  	s31 =	simm.s32 $0x2280  }
0x2c0: {  	[spmem:s4] =	stream.indirect.scatter.add.f32 [tilespmem:s28], [sflag:$0x1], $0x1, s31, s26, $0xb8;
	[tilespmem:$0x5800] =	vst v63  }
0x2c1: {  	s31 =	simm.s32 $0x2300  }
0x2c2: {  	[spmem:s4] =	stream.indirect.scatter.add.f32 [tilespmem:s28], [sflag:$0x1], $0x1, s31, s26, $0xb8;
	[tilespmem:$0x5800] =	vst v63  }
0x2c3: {  	s31 =	simm.s32 $0x2380  }
0x2c4: {  	[spmem:s4] =	stream.indirect.scatter.add.f32 [tilespmem:s28], [sflag:$0x1], $0x1, s31, s26, $0xb8;
	[tilespmem:$0x5800] =	vst v63  }
0x2c5: {  	s31 =	simm.s32 $0x2400  }
0x2c6: {  	[spmem:s4] =	stream.indirect.scatter.add.f32 [tilespmem:s28], [sflag:$0x1], $0x1, s31, s26, $0xb8;
	[tilespmem:$0x5800] =	vst v63  }
0x2c7: {  	s31 =	simm.s32 $0x2480  }
0x2c8: {  	[spmem:s4] =	stream.indirect.scatter.add.f32 [tilespmem:s28], [sflag:$0x1], $0x1, s31, s26, $0xb8;
	[tilespmem:$0x5800] =	vst v63  }
0x2c9: {  	s31 =	simm.s32 $0x2500  }
0x2ca: {  	[spmem:s4] =	stream.indirect.scatter.add.f32 [tilespmem:s28], [sflag:$0x1], $0x1, s31, s26, $0xb8;
	[tilespmem:$0x5800] =	vst v63  }
0x2cb: {  	s31 =	simm.s32 $0x2580  }
0x2cc: {  	[spmem:s4] =	stream.indirect.scatter.add.f32 [tilespmem:s28], [sflag:$0x1], $0x1, s31, s26, $0xb8;
	[tilespmem:$0x5800] =	vst v63  }
0x2cd: {  	s31 =	simm.s32 $0x2600  }
0x2ce: {  	[spmem:s4] =	stream.indirect.scatter.add.f32 [tilespmem:s28], [sflag:$0x1], $0x1, s31, s26, $0xb8;
	[tilespmem:$0x5800] =	vst v63  }
0x2cf: {  	s31 =	simm.s32 $0x2680  }
0x2d0: {  	[spmem:s4] =	stream.indirect.scatter.add.f32 [tilespmem:s28], [sflag:$0x1], $0x1, s31, s26, $0xb8;
	[tilespmem:$0x5800] =	vst v63  }
0x2d1: {  	s31 =	simm.s32 $0x2700  }
0x2d2: {  	[spmem:s4] =	stream.indirect.scatter.add.f32 [tilespmem:s28], [sflag:$0x1], $0x1, s31, s26, $0xb8;
	[tilespmem:$0x5800] =	vst v63  }
0x2d3: {  	s31 =	simm.s32 $0x2780  }
0x2d4: {  	[spmem:s4] =	stream.indirect.scatter.add.f32 [tilespmem:s28], [sflag:$0x1], $0x1, s31, s26, $0xb8;
	[tilespmem:$0x5800] =	vst v63  }
0x2d5: {  	s31 =	simm.s32 $0x2800  }
0x2d6: {  	[spmem:s4] =	stream.indirect.scatter.add.f32 [tilespmem:s28], [sflag:$0x1], $0x1, s31, s26, $0xb8;
	[tilespmem:$0x5800] =	vst v63  }
0x2d7: {  	s31 =	simm.s32 $0x2880  }
0x2d8: {  	[spmem:s4] =	stream.indirect.scatter.add.f32 [tilespmem:s28], [sflag:$0x1], $0x1, s31, s26, $0xb8;
	[tilespmem:$0x5800] =	vst v63  }
0x2d9: {  	s31 =	simm.s32 $0x2900  }
0x2da: {  	[spmem:s4] =	stream.indirect.scatter.add.f32 [tilespmem:s28], [sflag:$0x1], $0x1, s31, s26, $0xb8;
	[tilespmem:$0x5800] =	vst v63  }
0x2db: {  	s31 =	simm.s32 $0x2980  }
0x2dc: {  	[spmem:s4] =	stream.indirect.scatter.add.f32 [tilespmem:s28], [sflag:$0x1], $0x1, s31, s26, $0xb8;
	[tilespmem:$0x5800] =	vst v63  }
0x2dd: {  	s31 =	simm.s32 $0x2A00  }
0x2de: {  	[spmem:s4] =	stream.indirect.scatter.add.f32 [tilespmem:s28], [sflag:$0x1], $0x1, s31, s26, $0xb8;
	[tilespmem:$0x5800] =	vst v63  }
0x2df: {  	s31 =	simm.s32 $0x2A80  }
0x2e0: {  	[spmem:s4] =	stream.indirect.scatter.add.f32 [tilespmem:s28], [sflag:$0x1], $0x1, s31, s26, $0xb8;
	[tilespmem:$0x5800] =	vst v63  }
0x2e1: {  	s31 =	simm.s32 $0x2B00  }
0x2e2: {  	[spmem:s4] =	stream.indirect.scatter.add.f32 [tilespmem:s28], [sflag:$0x1], $0x1, s31, s26, $0xb8;
	[tilespmem:$0x5800] =	vst v63  }
0x2e3: {  	s31 =	simm.s32 $0x2B80  }
0x2e4: {  	[spmem:s4] =	stream.indirect.scatter.add.f32 [tilespmem:s28], [sflag:$0x1], $0x1, s31, s26, $0xb8;
	[tilespmem:$0x5800] =	vst v63  }
0x2e5: {  	s31 =	simm.s32 $0x2C00  }
0x2e6: {  	[spmem:s4] =	stream.indirect.scatter.add.f32 [tilespmem:s28], [sflag:$0x1], $0x1, s31, s26, $0xb8;
	[tilespmem:$0x5800] =	vst v63  }
0x2e7: {  	_ = 	snop  }
0x2e8: {  	[spmem:s4] =	stream.indirect.scatter.add.f32 [tilespmem:s28], [sflag:$0x1], $0x1, s24, s26, $0xb8;
	[tilespmem:$0x5800] =	vst v63  }
0x2e9: {  	s31 =	simm.s32 $0x3080  }
0x2ea: {  	[spmem:s4] =	stream.indirect.scatter.add.f32 [tilespmem:s28], [sflag:$0x1], $0x1, s31, s26, $0xb8;
	[tilespmem:$0x5800] =	vst v63  }
0x2eb: {  	s31 =	simm.s32 $0x3100  }
0x2ec: {  	[spmem:s4] =	stream.indirect.scatter.add.f32 [tilespmem:s28], [sflag:$0x1], $0x1, s31, s26, $0xb8;
	[tilespmem:$0x5800] =	vst v63  }
0x2ed: {  	s31 =	simm.s32 $0x3180  }
0x2ee: {  	[spmem:s4] =	stream.indirect.scatter.add.f32 [tilespmem:s28], [sflag:$0x1], $0x1, s31, s26, $0xb8;
	[tilespmem:$0x5800] =	vst v63  }
0x2ef: {  	s31 =	simm.s32 $0x3200  }
0x2f0: {  	[spmem:s4] =	stream.indirect.scatter.add.f32 [tilespmem:s28], [sflag:$0x1], $0x1, s31, s26, $0xb8;
	[tilespmem:$0x5800] =	vst v63  }
0x2f1: {  	s31 =	simm.s32 $0x3280  }
0x2f2: {  	[spmem:s4] =	stream.indirect.scatter.add.f32 [tilespmem:s28], [sflag:$0x1], $0x1, s31, s26, $0xb8;
	[tilespmem:$0x5800] =	vst v63  }
0x2f3: {  	s31 =	simm.s32 $0x3300  }
0x2f4: {  	[spmem:s4] =	stream.indirect.scatter.add.f32 [tilespmem:s28], [sflag:$0x1], $0x1, s31, s26, $0xb8;
	[tilespmem:$0x5800] =	vst v63  }
0x2f5: {  	s31 =	simm.s32 $0x3380  }
0x2f6: {  	[spmem:s4] =	stream.indirect.scatter.add.f32 [tilespmem:s28], [sflag:$0x1], $0x1, s31, s26, $0xb8;
	[tilespmem:$0x5800] =	vst v63  }
0x2f7: {  	s31 =	simm.s32 $0x3400  }
0x2f8: {  	[spmem:s4] =	stream.indirect.scatter.add.f32 [tilespmem:s28], [sflag:$0x1], $0x1, s31, s26, $0xb8;
	[tilespmem:$0x5800] =	vst v63  }
0x2f9: {  	s31 =	simm.s32 $0x3480  }
0x2fa: {  	[spmem:s4] =	stream.indirect.scatter.add.f32 [tilespmem:s28], [sflag:$0x1], $0x1, s31, s26, $0xb8;
	[tilespmem:$0x5800] =	vst v63  }
0x2fb: {  	s31 =	simm.s32 $0x3500  }
0x2fc: {  	[spmem:s4] =	stream.indirect.scatter.add.f32 [tilespmem:s28], [sflag:$0x1], $0x1, s31, s26, $0xb8;
	[tilespmem:$0x5800] =	vst v63  }
0x2fd: {  	s31 =	simm.s32 $0x3580  }
0x2fe: {  	[spmem:s4] =	stream.indirect.scatter.add.f32 [tilespmem:s28], [sflag:$0x1], $0x1, s31, s26, $0xb8;
	[tilespmem:$0x5800] =	vst v63  }
0x2ff: {  	s31 =	simm.s32 $0x3600  }
0x300: {  	[spmem:s4] =	stream.indirect.scatter.add.f32 [tilespmem:s28], [sflag:$0x1], $0x1, s31, s26, $0xb8;
	[tilespmem:$0x5800] =	vst v63  }
0x301: {  	s31 =	simm.s32 $0x3680  }
0x302: {  	[spmem:s4] =	stream.indirect.scatter.add.f32 [tilespmem:s28], [sflag:$0x1], $0x1, s31, s26, $0xb8;
	[tilespmem:$0x5800] =	vst v63  }
0x303: {  	s31 =	simm.s32 $0x3700  }
0x304: {  	[spmem:s4] =	stream.indirect.scatter.add.f32 [tilespmem:s28], [sflag:$0x1], $0x1, s31, s26, $0xb8;
	[tilespmem:$0x5800] =	vst v63  }
0x305: {  	s31 =	simm.s32 $0x3780  }
0x306: {  	[spmem:s4] =	stream.indirect.scatter.add.f32 [tilespmem:s28], [sflag:$0x1], $0x1, s31, s26, $0xb8;
	[tilespmem:$0x5800] =	vst v63  }
0x307: {  	s31 =	simm.s32 $0x3800  }
0x308: {  	[spmem:s4] =	stream.indirect.scatter.add.f32 [tilespmem:s28], [sflag:$0x1], $0x1, s31, s26, $0xb8;
	[tilespmem:$0x5800] =	vst v63  }
0x309: {  	s31 =	simm.s32 $0x3880  }
0x30a: {  	[spmem:s4] =	stream.indirect.scatter.add.f32 [tilespmem:s28], [sflag:$0x1], $0x1, s31, s26, $0xb8;
	[tilespmem:$0x5800] =	vst v63  }
0x30b: {  	s31 =	simm.s32 $0x3900  }
0x30c: {  	[spmem:s4] =	stream.indirect.scatter.add.f32 [tilespmem:s28], [sflag:$0x1], $0x1, s31, s26, $0xb8;
	[tilespmem:$0x5800] =	vst v63  }
0x30d: {  	s31 =	simm.s32 $0x3980  }
0x30e: {  	[spmem:s4] =	stream.indirect.scatter.add.f32 [tilespmem:s28], [sflag:$0x1], $0x1, s31, s26, $0xb8;
	[tilespmem:$0x5800] =	vst v63  }
0x30f: {  	s31 =	simm.s32 $0x3A00  }
0x310: {  	[spmem:s4] =	stream.indirect.scatter.add.f32 [tilespmem:s28], [sflag:$0x1], $0x1, s31, s26, $0xb8;
	[tilespmem:$0x5800] =	vst v63  }
0x311: {  	s31 =	simm.s32 $0x3A80  }
0x312: {  	[spmem:s4] =	stream.indirect.scatter.add.f32 [tilespmem:s28], [sflag:$0x1], $0x1, s31, s26, $0xb8;
	[tilespmem:$0x5800] =	vst v63  }
0x313: {  	s31 =	simm.s32 $0x3B00  }
0x314: {  	[spmem:s4] =	stream.indirect.scatter.add.f32 [tilespmem:s28], [sflag:$0x1], $0x1, s31, s26, $0xb8;
	[tilespmem:$0x5800] =	vst v63  }
0x315: {  	s31 =	simm.s32 $0x3B80  }
0x316: {  	[spmem:s4] =	stream.indirect.scatter.add.f32 [tilespmem:s28], [sflag:$0x1], $0x1, s31, s26, $0xb8;
	[tilespmem:$0x5800] =	vst v63  }
0x317: {  	s31 =	simm.s32 $0x3C00  }
0x318: {  	[spmem:s4] =	stream.indirect.scatter.add.f32 [tilespmem:s28], [sflag:$0x1], $0x1, s31, s26, $0xb8;
	[tilespmem:$0x5800] =	vst v63  }
0x319: {  	_ = 	snop  }
0x31a: {  	[spmem:s4] =	stream.indirect.scatter.add.f32 [tilespmem:s28], [sflag:$0x1], $0x1, s25, s26, $0xb8;
	[tilespmem:$0x5800] =	vst v63  }
0x31b: {  	s31 =	simm.s32 $0x4080  }
0x31c: {  	[spmem:s4] =	stream.indirect.scatter.add.f32 [tilespmem:s28], [sflag:$0x1], $0x1, s31, s26, $0xb8;
	[tilespmem:$0x5800] =	vst v63  }
0x31d: {  	s31 =	simm.s32 $0x4100  }
0x31e: {  	[spmem:s4] =	stream.indirect.scatter.add.f32 [tilespmem:s28], [sflag:$0x1], $0x1, s31, s26, $0xb8;
	[tilespmem:$0x5800] =	vst v63  }
0x31f: {  	s31 =	simm.s32 $0x4180  }
0x320: {  	[spmem:s4] =	stream.indirect.scatter.add.f32 [tilespmem:s28], [sflag:$0x1], $0x1, s31, s26, $0xb8;
	[tilespmem:$0x5800] =	vst v63  }
0x321: {  	s31 =	simm.s32 $0x4200  }
0x322: {  	[spmem:s4] =	stream.indirect.scatter.add.f32 [tilespmem:s28], [sflag:$0x1], $0x1, s31, s26, $0xb8;
	[tilespmem:$0x5800] =	vst v63  }
0x323: {  	s31 =	simm.s32 $0x4280  }
0x324: {  	[spmem:s4] =	stream.indirect.scatter.add.f32 [tilespmem:s28], [sflag:$0x1], $0x1, s31, s26, $0xb8;
	[tilespmem:$0x5800] =	vst v63  }
0x325: {  	s31 =	simm.s32 $0x4300  }
0x326: {  	[spmem:s4] =	stream.indirect.scatter.add.f32 [tilespmem:s28], [sflag:$0x1], $0x1, s31, s26, $0xb8;
	[tilespmem:$0x5800] =	vst v63  }
0x327: {  	s31 =	simm.s32 $0x4380  }
0x328: {  	[spmem:s4] =	stream.indirect.scatter.add.f32 [tilespmem:s28], [sflag:$0x1], $0x1, s31, s26, $0xb8;
	[tilespmem:$0x5800] =	vst v63  }
0x329: {  	s31 =	simm.s32 $0x4400  }
0x32a: {  	[spmem:s4] =	stream.indirect.scatter.add.f32 [tilespmem:s28], [sflag:$0x1], $0x1, s31, s26, $0xb8;
	[tilespmem:$0x5800] =	vst v63  }
0x32b: {  	s31 =	simm.s32 $0x4480  }
0x32c: {  	[spmem:s4] =	stream.indirect.scatter.add.f32 [tilespmem:s28], [sflag:$0x1], $0x1, s31, s26, $0xb8;
	[tilespmem:$0x5800] =	vst v63  }
0x32d: {  	s31 =	simm.s32 $0x4500  }
0x32e: {  	[spmem:s4] =	stream.indirect.scatter.add.f32 [tilespmem:s28], [sflag:$0x1], $0x1, s31, s26, $0xb8;
	[tilespmem:$0x5800] =	vst v63  }
0x32f: {  	s31 =	simm.s32 $0x4580  }
0x330: {  	[spmem:s4] =	stream.indirect.scatter.add.f32 [tilespmem:s28], [sflag:$0x1], $0x1, s31, s26, $0xb8;
	[tilespmem:$0x5800] =	vst v63  }
0x331: {  	s31 =	simm.s32 $0x4600  }
0x332: {  	[spmem:s4] =	stream.indirect.scatter.add.f32 [tilespmem:s28], [sflag:$0x1], $0x1, s31, s26, $0xb8;
	[tilespmem:$0x5800] =	vst v63  }
0x333: {  	s31 =	simm.s32 $0x4680  }
0x334: {  	[spmem:s4] =	stream.indirect.scatter.add.f32 [tilespmem:s28], [sflag:$0x1], $0x1, s31, s26, $0xb8;
	[tilespmem:$0x5800] =	vst v63  }
0x335: {  	s31 =	simm.s32 $0x4700  }
0x336: {  	[spmem:s4] =	stream.indirect.scatter.add.f32 [tilespmem:s28], [sflag:$0x1], $0x1, s31, s26, $0xb8;
	[tilespmem:$0x5800] =	vst v63  }
0x337: {  	s31 =	simm.s32 $0x4780  }
0x338: {  	[spmem:s4] =	stream.indirect.scatter.add.f32 [tilespmem:s28], [sflag:$0x1], $0x1, s31, s26, $0xb8;
	[tilespmem:$0x5800] =	vst v63  }
0x339: {  	_ = 	snop  }
0x33a: {  	[spmem:s4] =	stream.indirect.scatter.add.f32 [tilespmem:s28], [sflag:$0x1], $0x1, s2, s26, $0xb8;
	[tilespmem:$0x5800] =	vst v63  }
0x33b: {  	_ = 	snop  }
0x33c: {  	[spmem:s4] =	stream.indirect.scatter.add.f32 [tilespmem:s28], [sflag:$0x1], $0x1, s0, s26, $0xb8;
	[tilespmem:$0x5800] =	vst v63  }
0x33d: {  	_ = 	snop  }
0x33e: {  	[spmem:s4] =	stream.indirect.scatter.add.f32 [tilespmem:s28], [sflag:$0x1], $0x1, s12, s26, $0xb8;
	[tilespmem:$0x5800] =	vst v63  }
0x33f: {  	_ = 	snop  }
0x340: {  	[spmem:s4] =	stream.indirect.scatter.add.f32 [tilespmem:s28], [sflag:$0x1], $0x1, s13, s26, $0xb8;
	[tilespmem:$0x5800] =	vst v63  }
0x341: {  	_ = 	snop  }
0x342: {  	[spmem:s4] =	stream.indirect.scatter.add.f32 [tilespmem:s28], [sflag:$0x1], $0x1, s14, s26, $0xb8;
	[tilespmem:$0x5800] =	vst v63  }
0x343: {  	_ = 	snop  }
0x344: {  	[spmem:s4] =	stream.indirect.scatter.add.f32 [tilespmem:s28], [sflag:$0x1], $0x1, s19, s26, $0xb8;
	[tilespmem:$0x5800] =	vst v63  }
0x345: {  	_ = 	snop  }
0x346: {  	[spmem:s4] =	stream.indirect.scatter.add.f32 [tilespmem:s28], [sflag:$0x1], $0x1, s21, s26, $0xb8;
	[tilespmem:$0x5800] =	vst v63  }
0x347: {  	_ = 	snop  }
0x348: {  	[spmem:s4] =	stream.indirect.scatter.add.f32 [tilespmem:s28], [sflag:$0x1], $0x1, s23, s26, $0xb8;
	[tilespmem:$0x5800] =	vst v63  }
0x349: {  	_ = 	snop  }
0x34a: {  	[spmem:s4] =	stream.indirect.scatter.add.f32 [tilespmem:s28], [sflag:$0x1], $0x1, s11, s26, $0xb8;
	[tilespmem:$0x5800] =	vst v63  }
0x34b: {  	_ =	swait.ge [sflag:s29], $0x50  }
0x34c: {  	s31 =	simm.s32 $0x7C;
	[sflag:s29] =	ssyncset.done $0x0  }
.LBB2_6:
0x34d: {  	p0 =	sne.s32 s31, $0x1;
	s31 =	sadd.s32 $0xFFFFFFFF, s31;
	[sflag:s29] =	ssyncadd.s32 $0xFFFFFFB0  }
.Ltmp2:
0x34e: {  	(pc) =	sbr.rel @p0 .LBB2_6-.Ltmp2, $3  }
0x34f: {  	_ =	sdelay $0x1  }
0x350: {  	_ =	swait.ge [sflag:s29], $0x50  }
0x351: {  	[sflag:s29] =	ssyncset.done $0x0  }
0x352: {  	[sflag:s29] =	ssyncadd.s32 $0xFFFFFFB0  }
0x353: {  	[bflag:$0x0] =	sbarrier.arrive $0xFFFF  }
0x354: {  	s31 =	rddreg [dreg:$0x7]  }
0x355: {  	[hbm:s31], [sflag:s7] =	dma.local [spmem:s15], $0x50  }
0x356: {  	_ =	swait.ge [sflag:s16], $0x50  }
0x357: {  	[sflag:s16] =	ssyncset.done $0x0  }
0x358: {  	s31 =	rddreg [dreg:$0x8];
	[sflag:s16] =	ssyncadd.s32 $0xFFFFFFB0  }
0x359: {  	[hbm:s31], [sflag:s7] =	dma.local [spmem:s17], $0x50  }
0x35a: {  	_ =	swait.ge [sflag:s16], $0x50  }
0x35b: {  	[sflag:s16] =	ssyncset.done $0x0  }
0x35c: {  	s31 =	rddreg [dreg:$0x9];
	[sflag:s16] =	ssyncadd.s32 $0xFFFFFFB0  }
0x35d: {  	[hbm:s31], [sflag:s7] =	dma.local [spmem:s18], $0x50  }
0x35e: {  	_ =	swait.ge [sflag:s16], $0x50  }
0x35f: {  	s30 =	sadd.s32 $0x1, s30;
	s31 =	rddreg [dreg:$0xa]  }
0x360: {  	p0 =	sne.s32 s30, s31  }
.Ltmp3:
0x361: {  	_ = 	snop;
	(pc) =	sbr.rel @p0 .LBB2_1-.Ltmp3, $3  }
0x362: {  	_ =	sdelay $0x1  }
0x363: {  	[sflag:s16] =	ssyncset.done $0x0  }
0x364: {  	[sflag:s16] =	ssyncadd.s32 $0xFFFFFFB0  }
0x365: {  	_ =	sfence.sel $0x180000  }
0x366: {  	[bflag:$0x0] =	sbarrier.arrive $0xFFFF  }
0x367: {  	_ =	strace $0x90000047  }
0x368: {  	s0 =	stileid.u32;
	[bflag:$0x2] =	sbarrier.arrive $0xFFFF  }
0x369: {  	p0 =	sne.s32 s0, $0x0;
	s0 =	rddreg [dreg:$0x6]  }
0x36a: {  	s0 =	sadd.s32 @!p0 $0x100000, s0  }
0x36b: {  	[sflag:s0] =	ssyncadd.tile.s32 @!p0 $0x1;
	_ =	shalt  }
.Lfunc_end2:
_tile_overlayer_lowered:
.L_overlay_start_2:
0x36c: {  	(tag) =	ssettag $0x2  }
0x36d: {  	s0 =	rddreg [dreg:$0x0];
	s2 =	stileid.u32  }
0x36e: {  	s1 =	rddreg [dreg:$0x1];
	p0 =	sne.s32 s2, $0x0  }
0x36f: {  	s3 =	rddreg [dreg:$0x2];
	[bflag:$0x3] =	sbarrier.arrive $0xFFFF;
	s2 =	simm.s32 @!p0 $0x1C02  }
0x370: {  	[timem:s3], [sflag:s2] =	dma.local @!p0 [hbm:s0], s1  }
0x371: {  	s0 =	simm.s32 @!p0 $0x2  }
0x372: {  	_ =	swait.ge @!p0 [sflag:s0], s1  }
0x373: {  	s1 =	ssub.s32 @!p0 $0x0, s1;
	[sflag:s0] =	ssyncset.done @!p0 $0x0  }
0x374: {  	[sflag:s0] =	ssyncadd.s32 @!p0 s1  }
0x375: {  	[bflag:$0x3] =	sbarrier.arrive $0xFFFF  }
0x376: {  	_ =	shalt  }

</sc_bundles>
